<compile_context>
chip_gen: v7x
topology: tpu7x:2x2x1
jax: 0.10.2.dev20260603
libtpu: 0.0.44.dev20260713+nightly
codegen_flags: <defaults>
</compile_context>

<pallas_src>
import functools

import jax
import jax.numpy as jnp
from jax import lax
from jax.experimental import pallas as pl
from jax.experimental.pallas import tpu as pltpu
from jax.experimental.pallas import tpu_sc as plsc

_K = 1024
_D = 64
_N = 16384
_COMMIT = 0.25
_BN = 1024

_NC = 2
_NS = 16
_NW = _NC * _NS
_BW = _N // _NW
_CH = 128
_NCH = _BW // _CH


def _argmin_kernel(z_ref, w_ref, idx_ref, loss_ref, ppl_ref,
                   counts_ref, sq_ref):
    i = pl.program_id(0)
    nblk = pl.num_programs(0)
    z = z_ref[...]
    w = w_ref[...]

    wm2 = w * (-2.0)
    s2 = jax.lax.dot_general(
        z, wm2, (((1,), (1,)), ((), ())), preferred_element_type=jnp.float32)
    zsq = jnp.sum(z * z, axis=1, keepdims=True)
    wsq = jnp.sum(w * w, axis=1)
    d = (zsq + wsq[None, :]) + s2

    dmin = jnp.min(d, axis=1, keepdims=True)
    col = jax.lax.broadcasted_iota(jnp.int32, d.shape, 1)
    idx = jnp.min(jnp.where(d == dmin, col, _K), axis=1)
    idx_ref[...] = idx.reshape(_BN // _CH, _CH)

    onehot = (col == idx[:, None]).astype(jnp.float32)
    ones_row = jnp.ones((1, _BN), jnp.float32)
    blk_counts = jax.lax.dot_general(
        ones_row, onehot, (((1,), (0,)), ((), ())),
        preferred_element_type=jnp.float32)
    blk_sq = jnp.sum(dmin)

    @pl.when(i == 0)
    def _init():
        counts_ref[...] = blk_counts
        sq_ref[0, 0] = blk_sq

    @pl.when(i > 0)
    def _acc():
        counts_ref[...] += blk_counts
        sq_ref[0, 0] += blk_sq

    @pl.when(i == nblk - 1)
    def _final():
        p = counts_ref[...] / jnp.float32(_N)
        ent = -jnp.sum(p * jnp.log(p + 1e-10))
        ppl_ref[...] = jnp.full((1, 1), jnp.exp(ent), jnp.float32)
        loss_ref[...] = jnp.full(
            (1, 1), (1.0 + _COMMIT) * sq_ref[0, 0] / jnp.float32(_N * _D),
            jnp.float32)


def _sc_gather(wp_hbm, idx_hbm, q2_hbm,
               idx_v, rbuf0, rbuf1, qbuf0, qbuf1, sem0, sem1, semw0, semw1):
    cid = lax.axis_index("c")
    sid = lax.axis_index("s")
    wid = sid * _NC + cid
    rbufs = [rbuf0, rbuf1]
    qbufs = [qbuf0, qbuf1]
    sems = [sem0, sem1]
    semws = [semw0, semw1]

    pltpu.sync_copy(idx_hbm.at[pl.ds(wid * _NCH, _NCH)], idx_v)

    copies = [None] * _NCH
    wcopies = [None] * _NCH
    copies[0] = pltpu.async_copy(wp_hbm.at[idx_v.at[0]], rbufs[0], sems[0])
    for j in range(_NCH):
        if j + 1 < _NCH:
            copies[j + 1] = pltpu.async_copy(
                wp_hbm.at[idx_v.at[j + 1]], rbufs[(j + 1) % 2],
                sems[(j + 1) % 2])
        copies[j].wait()
        if j >= 2:
            wcopies[j - 2].wait()
        rbuf = rbufs[j % 2]
        qbuf = qbufs[j % 2]

        def body(u, carry):
            for half in range(2):
                t = 2 * u + half
                for c in range(_D // 16):
                    qbuf[u, pl.ds(half * _D + c * 16, 16)] = (
                        rbuf[t, pl.ds(c * 16, 16)])
            return carry

        lax.fori_loop(0, _CH // 2, body, jnp.int32(0))
        wcopies[j] = pltpu.async_copy(
            qbuf, q2_hbm.at[pl.ds(wid * (_BW // 2) + j * (_CH // 2), _CH // 2)],
            semws[j % 2])
    wcopies[_NCH - 2].wait()
    wcopies[_NCH - 1].wait()


def _make_sc_call():
    mesh = plsc.VectorSubcoreMesh(core_axis_name="c", subcore_axis_name="s")
    return functools.partial(
        pl.kernel,
        mesh=mesh,
        out_type=jax.ShapeDtypeStruct((_N // 2, 2 * _D), jnp.float32),
        scratch_types=[
            pltpu.VMEM((_NCH, _CH), jnp.int32),
            pltpu.VMEM((_CH, 2 * _D), jnp.float32),
            pltpu.VMEM((_CH, 2 * _D), jnp.float32),
            pltpu.VMEM((_CH // 2, 2 * _D), jnp.float32),
            pltpu.VMEM((_CH // 2, 2 * _D), jnp.float32),
            pltpu.SemaphoreType.DMA,
            pltpu.SemaphoreType.DMA,
            pltpu.SemaphoreType.DMA,
            pltpu.SemaphoreType.DMA,
        ],
    )(_sc_gather)


def kernel(inputs, W):
    n = inputs.shape[0]
    grid = (n // _BN,)
    idx128, loss, ppl = pl.pallas_call(
        _argmin_kernel,
        grid=grid,
        in_specs=[
            pl.BlockSpec((_BN, _D), lambda i: (i, 0)),
            pl.BlockSpec((_K, _D), lambda i: (0, 0)),
        ],
        out_specs=[
            pl.BlockSpec((_BN // _CH, _CH), lambda i: (i, 0)),
            pl.BlockSpec((1, 1), lambda i: (0, 0)),
            pl.BlockSpec((1, 1), lambda i: (0, 0)),
        ],
        out_shape=[
            jax.ShapeDtypeStruct((n // _CH, _CH), jnp.int32),
            jax.ShapeDtypeStruct((1, 1), jnp.float32),
            jax.ShapeDtypeStruct((1, 1), jnp.float32),
        ],
        scratch_shapes=[
            pltpu.VMEM((1, _K), jnp.float32),
            pltpu.SMEM((1, 1), jnp.float32),
        ],
    )(inputs, W)

    w_round = W.astype(jnp.bfloat16).astype(jnp.float32)
    w_pad = jnp.pad(w_round, ((0, 0), (0, 2 * _D - _D)))
    q2 = _make_sc_call()(w_pad, idx128)
    q = q2.reshape(n, _D)
    return q, loss[0, 0], ppl[0, 0]

# --- scband reference (transcript-rebuilt; emitter-appended) ---
"""Pipeline reference for scband-vector-quantizer-53566832115832 (READ-ONLY COPY).

The authoritative reference and input builder live on the scoring server;
editing this copy changes nothing except your own understanding.
"""

import jax, jax.numpy as jnp
import numpy as np

NUM_EMBEDDINGS = 1024
EMBEDDING_DIM = 64
COMMITMENT_COST = 0.25
N_TOKENS = 16384


def setup_inputs(seed: int = 0) -> dict:
    key = jax.random.key(seed)
    k1, k2 = jax.random.split(key)
    inputs = jax.random.normal(k1, (N_TOKENS, EMBEDDING_DIM), dtype=jnp.float32)
    # xavier_uniform init for embedding weight [K, D]
    fan_in, fan_out = EMBEDDING_DIM, NUM_EMBEDDINGS
    limit = float(np.sqrt(6.0 / (fan_in + fan_out)))
    W = jax.random.uniform(k2, (NUM_EMBEDDINGS, EMBEDDING_DIM), dtype=jnp.float32, minval=-limit, maxval=limit)
    return {"inputs": inputs, "W": W}


def reference(inputs, W):
    batch_size = inputs.shape[0]
    # squared L2 distances to each codebook vector
    distances = (jnp.sum(inputs ** 2, axis=1, keepdims=True)
                 + jnp.sum(W ** 2, axis=1)
                 - 2.0 * jnp.matmul(inputs, W.T))
    encoding_indices = jnp.argmin(distances, axis=1)
    # scatter one-hot encodings: zeros.at[row, idx].set(1)
    encodings = jnp.zeros((batch_size, NUM_EMBEDDINGS), dtype=inputs.dtype)
    encodings = encodings.at[jnp.arange(batch_size), encoding_indices].set(1.0)
    quantized = jnp.matmul(encodings, W)
    e_latent_loss = jnp.mean((jax.lax.stop_gradient(quantized) - inputs) ** 2)
    q_latent_loss = jnp.mean((quantized - jax.lax.stop_gradient(inputs)) ** 2)
    loss = q_latent_loss + COMMITMENT_COST * e_latent_loss
    # straight-through estimator
    quantized_st = inputs + jax.lax.stop_gradient(quantized - inputs)
    avg_probs = jnp.mean(encodings, axis=0)
    perplexity = jnp.exp(-jnp.sum(avg_probs * jnp.log(avg_probs + 1e-10)))
    return (quantized_st, loss, perplexity)

if __name__ == "__main__":
    import jax
    _d = setup_inputs()
    print(jax.jit(kernel)(*tuple(_d.values())))

</pallas_src>

<mosaic_0001>
#map = affine_map<(d0, d1) -> (0, 0)>
module attributes {stable_mosaic.version = 14 : i64} {
  func.func @_sc_gather(%arg0: i32, %arg1: i32, %arg2: memref<1024x128xf32, #tpu.memory_space<hbm>>, %arg3: memref<128x128xi32, #tpu.memory_space<hbm>>, %arg4: memref<8192x128xf32, #tpu.memory_space<hbm>>, %arg5: memref<4x128xi32, #tpu.memory_space<vmem>>, %arg6: memref<128x128xf32, #tpu.memory_space<vmem>>, %arg7: memref<128x128xf32, #tpu.memory_space<vmem>>, %arg8: memref<64x128xf32, #tpu.memory_space<vmem>>, %arg9: memref<64x128xf32, #tpu.memory_space<vmem>>, %arg10: memref<!tpu.dma_semaphore, #tpu.memory_space<semaphore_mem>>, %arg11: memref<!tpu.dma_semaphore, #tpu.memory_space<semaphore_mem>>, %arg12: memref<!tpu.dma_semaphore, #tpu.memory_space<semaphore_mem>>, %arg13: memref<!tpu.dma_semaphore, #tpu.memory_space<semaphore_mem>>) attributes {dimension_semantics = [#tpu.dimension_semantics<core_parallel>, #tpu.dimension_semantics<subcore_parallel>], iteration_bounds = array<i64: 2, 16>, scalar_prefetch = 0 : i64, scratch_operands = 9 : i64, tpu.core_type = #tpu.core_type<sc_vector_subcore>, window_params = [{transform_indices = #map}, {transform_indices = #map}, {transform_indices = #map}]} {
    %mul3A = arith.constant 2 : i32
    %mul3A_0 = arith.muli %arg1, %mul3A : i32
    %add3A = arith.addi %mul3A_0, %arg0 : i32
    %mul3A_1 = arith.constant 4 : i32
    %mul3A_2 = arith.muli %add3A, %mul3A_1 : i32
    "tpu.region"() ({
      %run_scoped3A = tpu.sem_alloc : memref<!tpu.dma_semaphore, #tpu.memory_space<semaphore_mem>>
      %dma_start3A_128 = arith.constant 0 : i32
      %dma_start3A_129 = tpu.memref_slice %arg3[%mul3A_2, %dma_start3A_128] : memref<128x128xi32, #tpu.memory_space<hbm>> -> memref<4x128xi32, #tpu.memory_space<hbm>>
      %dma_start3A_130 = arith.constant 0 : i32
      %dma_start3A_131 = tpu.memref_slice %arg3[%mul3A_2, %dma_start3A_130] : memref<128x128xi32, #tpu.memory_space<hbm>> -> memref<4x128xi32, #tpu.memory_space<hbm>>
      tpu.enqueue_dma source(%dma_start3A_131 : memref<4x128xi32, #tpu.memory_space<hbm>>) target(%arg5 : memref<4x128xi32, #tpu.memory_space<vmem>>) target_semaphore(%run_scoped3A : memref<!tpu.dma_semaphore, #tpu.memory_space<semaphore_mem>>)
      %dma_wait3A_132 = arith.constant 0 : i32
      %dma_wait3A_133 = tpu.memref_slice %arg3[%mul3A_2, %dma_wait3A_132] : memref<128x128xi32, #tpu.memory_space<hbm>> -> memref<4x128xi32, #tpu.memory_space<hbm>>
      %dma_wait3A_134 = arith.constant 0 : i32
      %dma_wait3A_135 = tpu.memref_slice %arg3[%mul3A_2, %dma_wait3A_134] : memref<128x128xi32, #tpu.memory_space<hbm>> -> memref<4x128xi32, #tpu.memory_space<hbm>>
      tpu.wait_dma2 semaphore(%run_scoped3A : memref<!tpu.dma_semaphore, #tpu.memory_space<semaphore_mem>>) src(%dma_wait3A_135 : memref<4x128xi32, #tpu.memory_space<hbm>>) dst(%arg5 : memref<4x128xi32, #tpu.memory_space<vmem>>)
      tpu.yield
    }) : () -> ()
    %dma_start3A = arith.constant 0 : i32
    %dma_start3A_3 = arith.constant 0 : i32
    %dma_start3A_4 = tpu.memref_slice %arg5[%dma_start3A, %dma_start3A_3] : memref<4x128xi32, #tpu.memory_space<vmem>> -> memref<1x128xi32, #tpu.memory_space<vmem>>
    %dma_start3A_5 = tpu.memref_squeeze %dma_start3A_4 : memref<1x128xi32, #tpu.memory_space<vmem>> -> memref<128xi32, #tpu.memory_space<vmem>>
    %dma_start3A_6 = arith.constant 0 : i32
    %dma_start3A_7 = arith.constant 0 : i32
    %dma_start3A_8 = tpu.memref_slice %arg2[%dma_start3A_6, %dma_start3A_7] : memref<1024x128xf32, #tpu.memory_space<hbm>> -> memref<1024x128xf32, #tpu.memory_space<hbm>>
    tpu.enqueue_indirect_dma source(%dma_start3A_8 : memref<1024x128xf32, #tpu.memory_space<hbm>>) target(%arg6 : memref<128x128xf32, #tpu.memory_space<vmem>>) offsets(%dma_start3A_5 : memref<128xi32, #tpu.memory_space<vmem>>) semaphore(%arg10 : memref<!tpu.dma_semaphore, #tpu.memory_space<semaphore_mem>>)
    %dma_start3A_9 = arith.constant 1 : i32
    %dma_start3A_10 = arith.constant 0 : i32
    %dma_start3A_11 = tpu.memref_slice %arg5[%dma_start3A_9, %dma_start3A_10] : memref<4x128xi32, #tpu.memory_space<vmem>> -> memref<1x128xi32, #tpu.memory_space<vmem>>
    %dma_start3A_12 = tpu.memref_squeeze %dma_start3A_11 : memref<1x128xi32, #tpu.memory_space<vmem>> -> memref<128xi32, #tpu.memory_space<vmem>>
    %dma_start3A_13 = arith.constant 0 : i32
    %dma_start3A_14 = arith.constant 0 : i32
    %dma_start3A_15 = tpu.memref_slice %arg2[%dma_start3A_13, %dma_start3A_14] : memref<1024x128xf32, #tpu.memory_space<hbm>> -> memref<1024x128xf32, #tpu.memory_space<hbm>>
    tpu.enqueue_indirect_dma source(%dma_start3A_15 : memref<1024x128xf32, #tpu.memory_space<hbm>>) target(%arg7 : memref<128x128xf32, #tpu.memory_space<vmem>>) offsets(%dma_start3A_12 : memref<128xi32, #tpu.memory_space<vmem>>) semaphore(%arg11 : memref<!tpu.dma_semaphore, #tpu.memory_space<semaphore_mem>>)
    %dma_wait3A = arith.constant 0 : i32
    %dma_wait3A_16 = arith.constant 0 : i32
    %dma_wait3A_17 = tpu.memref_slice %arg5[%dma_wait3A, %dma_wait3A_16] : memref<4x128xi32, #tpu.memory_space<vmem>> -> memref<1x128xi32, #tpu.memory_space<vmem>>
    %dma_wait3A_18 = tpu.memref_squeeze %dma_wait3A_17 : memref<1x128xi32, #tpu.memory_space<vmem>> -> memref<128xi32, #tpu.memory_space<vmem>>
    %dma_wait3A_19 = arith.constant 0 : i32
    %dma_wait3A_20 = arith.constant 0 : i32
    %dma_wait3A_21 = tpu.memref_slice %arg2[%dma_wait3A_19, %dma_wait3A_20] : memref<1024x128xf32, #tpu.memory_space<hbm>> -> memref<1024x128xf32, #tpu.memory_space<hbm>>
    tpu.wait_indirect_dma semaphore(%arg10 : memref<!tpu.dma_semaphore, #tpu.memory_space<semaphore_mem>>) src(%dma_wait3A_21 : memref<1024x128xf32, #tpu.memory_space<hbm>>) dst(%arg6 : memref<128x128xf32, #tpu.memory_space<vmem>>)
    %scan3A = arith.constant 0 : i32
    %scan3A_22 = arith.constant 0 : i32
    %scan3A_23 = arith.constant 64 : i32
    %scan3A_24 = arith.addi %scan3A_22, %scan3A_23 : i32
    %scan3A_25 = arith.constant 1 : i32
    scf.for %scan3A_128 = %scan3A_22 to %scan3A_24 step %scan3A_25  : i32 {
      %mul3A_129 = arith.constant 2 : i32
      %mul3A_130 = arith.muli %mul3A_129, %scan3A_128 : i32
      %add3A_131 = arith.constant 0 : i32
      %add3A_132 = arith.addi %mul3A_130, %add3A_131 : i32
      %get3A = arith.index_cast %add3A_132 : i32 to index
      %get3A_133 = arith.constant 0 : index
      %get3A_134 = tpu.vector_load %arg6[%get3A, %get3A_133] {strides = array<i32>} : memref<128x128xf32, #tpu.memory_space<vmem>>, vector<1x16xf32>,
      %get3A_135 = vector.shape_cast %get3A_134 : vector<1x16xf32> to vector<16xf32>
      %swap3A = arith.index_cast %scan3A_128 : i32 to index
      %swap3A_136 = arith.constant 0 : index
      %swap3A_137 = tpu.vector_load %arg8[%swap3A, %swap3A_136] {strides = array<i32>} : memref<64x128xf32, #tpu.memory_space<vmem>>, vector<1x16xf32>,
      %swap3A_138 = vector.shape_cast %swap3A_137 : vector<1x16xf32> to vector<16xf32>
      %swap3A_139 = vector.shape_cast %get3A_135 : vector<16xf32> to vector<1x16xf32>
      tpu.vector_store %arg8[%swap3A, %swap3A_136], %swap3A_139 {strides = array<i32>} : memref<64x128xf32, #tpu.memory_space<vmem>>, vector<1x16xf32>,
      %get3A_140 = arith.index_cast %add3A_132 : i32 to index
      %get3A_141 = arith.constant 16 : index
      %get3A_142 = tpu.vector_load %arg6[%get3A_140, %get3A_141] {strides = array<i32>} : memref<128x128xf32, #tpu.memory_space<vmem>>, vector<1x16xf32>,
      %get3A_143 = vector.shape_cast %get3A_142 : vector<1x16xf32> to vector<16xf32>
      %swap3A_144 = arith.index_cast %scan3A_128 : i32 to index
      %swap3A_145 = arith.constant 16 : index
      %swap3A_146 = tpu.vector_load %arg8[%swap3A_144, %swap3A_145] {strides = array<i32>} : memref<64x128xf32, #tpu.memory_space<vmem>>, vector<1x16xf32>,
      %swap3A_147 = vector.shape_cast %swap3A_146 : vector<1x16xf32> to vector<16xf32>
      %swap3A_148 = vector.shape_cast %get3A_143 : vector<16xf32> to vector<1x16xf32>
      tpu.vector_store %arg8[%swap3A_144, %swap3A_145], %swap3A_148 {strides = array<i32>} : memref<64x128xf32, #tpu.memory_space<vmem>>, vector<1x16xf32>,
      %get3A_149 = arith.index_cast %add3A_132 : i32 to index
      %get3A_150 = arith.constant 32 : index
      %get3A_151 = tpu.vector_load %arg6[%get3A_149, %get3A_150] {strides = array<i32>} : memref<128x128xf32, #tpu.memory_space<vmem>>, vector<1x16xf32>,
      %get3A_152 = vector.shape_cast %get3A_151 : vector<1x16xf32> to vector<16xf32>
      %swap3A_153 = arith.index_cast %scan3A_128 : i32 to index
      %swap3A_154 = arith.constant 32 : index
      %swap3A_155 = tpu.vector_load %arg8[%swap3A_153, %swap3A_154] {strides = array<i32>} : memref<64x128xf32, #tpu.memory_space<vmem>>, vector<1x16xf32>,
      %swap3A_156 = vector.shape_cast %swap3A_155 : vector<1x16xf32> to vector<16xf32>
      %swap3A_157 = vector.shape_cast %get3A_152 : vector<16xf32> to vector<1x16xf32>
      tpu.vector_store %arg8[%swap3A_153, %swap3A_154], %swap3A_157 {strides = array<i32>} : memref<64x128xf32, #tpu.memory_space<vmem>>, vector<1x16xf32>,
      %get3A_158 = arith.index_cast %add3A_132 : i32 to index
      %get3A_159 = arith.constant 48 : index
      %get3A_160 = tpu.vector_load %arg6[%get3A_158, %get3A_159] {strides = array<i32>} : memref<128x128xf32, #tpu.memory_space<vmem>>, vector<1x16xf32>,
      %get3A_161 = vector.shape_cast %get3A_160 : vector<1x16xf32> to vector<16xf32>
      %swap3A_162 = arith.index_cast %scan3A_128 : i32 to index
      %swap3A_163 = arith.constant 48 : index
      %swap3A_164 = tpu.vector_load %arg8[%swap3A_162, %swap3A_163] {strides = array<i32>} : memref<64x128xf32, #tpu.memory_space<vmem>>, vector<1x16xf32>,
      %swap3A_165 = vector.shape_cast %swap3A_164 : vector<1x16xf32> to vector<16xf32>
      %swap3A_166 = vector.shape_cast %get3A_161 : vector<16xf32> to vector<1x16xf32>
      tpu.vector_store %arg8[%swap3A_162, %swap3A_163], %swap3A_166 {strides = array<i32>} : memref<64x128xf32, #tpu.memory_space<vmem>>, vector<1x16xf32>,
      %mul3A_167 = arith.constant 2 : i32
      %mul3A_168 = arith.muli %mul3A_167, %scan3A_128 : i32
      %add3A_169 = arith.constant 1 : i32
      %add3A_170 = arith.addi %mul3A_168, %add3A_169 : i32
      %get3A_171 = arith.index_cast %add3A_170 : i32 to index
      %get3A_172 = arith.constant 0 : index
      %get3A_173 = tpu.vector_load %arg6[%get3A_171, %get3A_172] {strides = array<i32>} : memref<128x128xf32, #tpu.memory_space<vmem>>, vector<1x16xf32>,
      %get3A_174 = vector.shape_cast %get3A_173 : vector<1x16xf32> to vector<16xf32>
      %swap3A_175 = arith.index_cast %scan3A_128 : i32 to index
      %swap3A_176 = arith.constant 64 : index
      %swap3A_177 = tpu.vector_load %arg8[%swap3A_175, %swap3A_176] {strides = array<i32>} : memref<64x128xf32, #tpu.memory_space<vmem>>, vector<1x16xf32>,
      %swap3A_178 = vector.shape_cast %swap3A_177 : vector<1x16xf32> to vector<16xf32>
      %swap3A_179 = vector.shape_cast %get3A_174 : vector<16xf32> to vector<1x16xf32>
      tpu.vector_store %arg8[%swap3A_175, %swap3A_176], %swap3A_179 {strides = array<i32>} : memref<64x128xf32, #tpu.memory_space<vmem>>, vector<1x16xf32>,
      %get3A_180 = arith.index_cast %add3A_170 : i32 to index
      %get3A_181 = arith.constant 16 : index
      %get3A_182 = tpu.vector_load %arg6[%get3A_180, %get3A_181] {strides = array<i32>} : memref<128x128xf32, #tpu.memory_space<vmem>>, vector<1x16xf32>,
      %get3A_183 = vector.shape_cast %get3A_182 : vector<1x16xf32> to vector<16xf32>
      %swap3A_184 = arith.index_cast %scan3A_128 : i32 to index
      %swap3A_185 = arith.constant 80 : index
      %swap3A_186 = tpu.vector_load %arg8[%swap3A_184, %swap3A_185] {strides = array<i32>} : memref<64x128xf32, #tpu.memory_space<vmem>>, vector<1x16xf32>,
      %swap3A_187 = vector.shape_cast %swap3A_186 : vector<1x16xf32> to vector<16xf32>
      %swap3A_188 = vector.shape_cast %get3A_183 : vector<16xf32> to vector<1x16xf32>
      tpu.vector_store %arg8[%swap3A_184, %swap3A_185], %swap3A_188 {strides = array<i32>} : memref<64x128xf32, #tpu.memory_space<vmem>>, vector<1x16xf32>,
      %get3A_189 = arith.index_cast %add3A_170 : i32 to index
      %get3A_190 = arith.constant 32 : index
      %get3A_191 = tpu.vector_load %arg6[%get3A_189, %get3A_190] {strides = array<i32>} : memref<128x128xf32, #tpu.memory_space<vmem>>, vector<1x16xf32>,
      %get3A_192 = vector.shape_cast %get3A_191 : vector<1x16xf32> to vector<16xf32>
      %swap3A_193 = arith.index_cast %scan3A_128 : i32 to index
      %swap3A_194 = arith.constant 96 : index
      %swap3A_195 = tpu.vector_load %arg8[%swap3A_193, %swap3A_194] {strides = array<i32>} : memref<64x128xf32, #tpu.memory_space<vmem>>, vector<1x16xf32>,
      %swap3A_196 = vector.shape_cast %swap3A_195 : vector<1x16xf32> to vector<16xf32>
      %swap3A_197 = vector.shape_cast %get3A_192 : vector<16xf32> to vector<1x16xf32>
      tpu.vector_store %arg8[%swap3A_193, %swap3A_194], %swap3A_197 {strides = array<i32>} : memref<64x128xf32, #tpu.memory_space<vmem>>, vector<1x16xf32>,
      %get3A_198 = arith.index_cast %add3A_170 : i32 to index
      %get3A_199 = arith.constant 48 : index
      %get3A_200 = tpu.vector_load %arg6[%get3A_198, %get3A_199] {strides = array<i32>} : memref<128x128xf32, #tpu.memory_space<vmem>>, vector<1x16xf32>,
      %get3A_201 = vector.shape_cast %get3A_200 : vector<1x16xf32> to vector<16xf32>
      %swap3A_202 = arith.index_cast %scan3A_128 : i32 to index
      %swap3A_203 = arith.constant 112 : index
      %swap3A_204 = tpu.vector_load %arg8[%swap3A_202, %swap3A_203] {strides = array<i32>} : memref<64x128xf32, #tpu.memory_space<vmem>>, vector<1x16xf32>,
      %swap3A_205 = vector.shape_cast %swap3A_204 : vector<1x16xf32> to vector<16xf32>
      %swap3A_206 = vector.shape_cast %get3A_201 : vector<16xf32> to vector<1x16xf32>
      tpu.vector_store %arg8[%swap3A_202, %swap3A_203], %swap3A_206 {strides = array<i32>} : memref<64x128xf32, #tpu.memory_space<vmem>>, vector<1x16xf32>,
    }
    %scan3A_26 = arith.constant 64 : i32
    %mul3A_27 = arith.constant 256 : i32
    %mul3A_28 = arith.muli %add3A, %mul3A_27 : i32
    %add3A_29 = arith.constant 0 : i32
    %add3A_30 = arith.addi %mul3A_28, %add3A_29 : i32
    %dma_start3A_31 = arith.constant 0 : i32
    %dma_start3A_32 = tpu.memref_slice %arg4[%add3A_30, %dma_start3A_31] : memref<8192x128xf32, #tpu.memory_space<hbm>> -> memref<64x128xf32, #tpu.memory_space<hbm>>
    %dma_start3A_33 = arith.constant 0 : i32
    %dma_start3A_34 = tpu.memref_slice %arg4[%add3A_30, %dma_start3A_33] : memref<8192x128xf32, #tpu.memory_space<hbm>> -> memref<64x128xf32, #tpu.memory_space<hbm>>
    tpu.enqueue_dma source(%arg8 : memref<64x128xf32, #tpu.memory_space<vmem>>) target(%dma_start3A_34 : memref<64x128xf32, #tpu.memory_space<hbm>>) target_semaphore(%arg12 : memref<!tpu.dma_semaphore, #tpu.memory_space<semaphore_mem>>)
    %dma_start3A_35 = arith.constant 2 : i32
    %dma_start3A_36 = arith.constant 0 : i32
    %dma_start3A_37 = tpu.memref_slice %arg5[%dma_start3A_35, %dma_start3A_36] : memref<4x128xi32, #tpu.memory_space<vmem>> -> memref<1x128xi32, #tpu.memory_space<vmem>>
    %dma_start3A_38 = tpu.memref_squeeze %dma_start3A_37 : memref<1x128xi32, #tpu.memory_space<vmem>> -> memref<128xi32, #tpu.memory_space<vmem>>
    %dma_start3A_39 = arith.constant 0 : i32
    %dma_start3A_40 = arith.constant 0 : i32
    %dma_start3A_41 = tpu.memref_slice %arg2[%dma_start3A_39, %dma_start3A_40] : memref<1024x128xf32, #tpu.memory_space<hbm>> -> memref<1024x128xf32, #tpu.memory_space<hbm>>
    tpu.enqueue_indirect_dma source(%dma_start3A_41 : memref<1024x128xf32, #tpu.memory_space<hbm>>) target(%arg6 : memref<128x128xf32, #tpu.memory_space<vmem>>) offsets(%dma_start3A_38 : memref<128xi32, #tpu.memory_space<vmem>>) semaphore(%arg10 : memref<!tpu.dma_semaphore, #tpu.memory_space<semaphore_mem>>)
    %dma_wait3A_42 = arith.constant 1 : i32
    %dma_wait3A_43 = arith.constant 0 : i32
    %dma_wait3A_44 = tpu.memref_slice %arg5[%dma_wait3A_42, %dma_wait3A_43] : memref<4x128xi32, #tpu.memory_space<vmem>> -> memref<1x128xi32, #tpu.memory_space<vmem>>
    %dma_wait3A_45 = tpu.memref_squeeze %dma_wait3A_44 : memref<1x128xi32, #tpu.memory_space<vmem>> -> memref<128xi32, #tpu.memory_space<vmem>>
    %dma_wait3A_46 = arith.constant 0 : i32
    %dma_wait3A_47 = arith.constant 0 : i32
    %dma_wait3A_48 = tpu.memref_slice %arg2[%dma_wait3A_46, %dma_wait3A_47] : memref<1024x128xf32, #tpu.memory_space<hbm>> -> memref<1024x128xf32, #tpu.memory_space<hbm>>
    tpu.wait_indirect_dma semaphore(%arg11 : memref<!tpu.dma_semaphore, #tpu.memory_space<semaphore_mem>>) src(%dma_wait3A_48 : memref<1024x128xf32, #tpu.memory_space<hbm>>) dst(%arg7 : memref<128x128xf32, #tpu.memory_space<vmem>>)
    %scan3A_49 = arith.constant 0 : i32
    %scan3A_50 = arith.constant 0 : i32
    %scan3A_51 = arith.constant 64 : i32
    %scan3A_52 = arith.addi %scan3A_50, %scan3A_51 : i32
    %scan3A_53 = arith.constant 1 : i32
    scf.for %scan3A_128 = %scan3A_50 to %scan3A_52 step %scan3A_53  : i32 {
      %mul3A_129 = arith.constant 2 : i32
      %mul3A_130 = arith.muli %mul3A_129, %scan3A_128 : i32
      %add3A_131 = arith.constant 0 : i32
      %add3A_132 = arith.addi %mul3A_130, %add3A_131 : i32
      %get3A = arith.index_cast %add3A_132 : i32 to index
      %get3A_133 = arith.constant 0 : index
      %get3A_134 = tpu.vector_load %arg7[%get3A, %get3A_133] {strides = array<i32>} : memref<128x128xf32, #tpu.memory_space<vmem>>, vector<1x16xf32>,
      %get3A_135 = vector.shape_cast %get3A_134 : vector<1x16xf32> to vector<16xf32>
      %swap3A = arith.index_cast %scan3A_128 : i32 to index
      %swap3A_136 = arith.constant 0 : index
      %swap3A_137 = tpu.vector_load %arg9[%swap3A, %swap3A_136] {strides = array<i32>} : memref<64x128xf32, #tpu.memory_space<vmem>>, vector<1x16xf32>,
      %swap3A_138 = vector.shape_cast %swap3A_137 : vector<1x16xf32> to vector<16xf32>
      %swap3A_139 = vector.shape_cast %get3A_135 : vector<16xf32> to vector<1x16xf32>
      tpu.vector_store %arg9[%swap3A, %swap3A_136], %swap3A_139 {strides = array<i32>} : memref<64x128xf32, #tpu.memory_space<vmem>>, vector<1x16xf32>,
      %get3A_140 = arith.index_cast %add3A_132 : i32 to index
      %get3A_141 = arith.constant 16 : index
      %get3A_142 = tpu.vector_load %arg7[%get3A_140, %get3A_141] {strides = array<i32>} : memref<128x128xf32, #tpu.memory_space<vmem>>, vector<1x16xf32>,
      %get3A_143 = vector.shape_cast %get3A_142 : vector<1x16xf32> to vector<16xf32>
      %swap3A_144 = arith.index_cast %scan3A_128 : i32 to index
      %swap3A_145 = arith.constant 16 : index
      %swap3A_146 = tpu.vector_load %arg9[%swap3A_144, %swap3A_145] {strides = array<i32>} : memref<64x128xf32, #tpu.memory_space<vmem>>, vector<1x16xf32>,
      %swap3A_147 = vector.shape_cast %swap3A_146 : vector<1x16xf32> to vector<16xf32>
      %swap3A_148 = vector.shape_cast %get3A_143 : vector<16xf32> to vector<1x16xf32>
      tpu.vector_store %arg9[%swap3A_144, %swap3A_145], %swap3A_148 {strides = array<i32>} : memref<64x128xf32, #tpu.memory_space<vmem>>, vector<1x16xf32>,
      %get3A_149 = arith.index_cast %add3A_132 : i32 to index
      %get3A_150 = arith.constant 32 : index
      %get3A_151 = tpu.vector_load %arg7[%get3A_149, %get3A_150] {strides = array<i32>} : memref<128x128xf32, #tpu.memory_space<vmem>>, vector<1x16xf32>,
      %get3A_152 = vector.shape_cast %get3A_151 : vector<1x16xf32> to vector<16xf32>
      %swap3A_153 = arith.index_cast %scan3A_128 : i32 to index
      %swap3A_154 = arith.constant 32 : index
      %swap3A_155 = tpu.vector_load %arg9[%swap3A_153, %swap3A_154] {strides = array<i32>} : memref<64x128xf32, #tpu.memory_space<vmem>>, vector<1x16xf32>,
      %swap3A_156 = vector.shape_cast %swap3A_155 : vector<1x16xf32> to vector<16xf32>
      %swap3A_157 = vector.shape_cast %get3A_152 : vector<16xf32> to vector<1x16xf32>
      tpu.vector_store %arg9[%swap3A_153, %swap3A_154], %swap3A_157 {strides = array<i32>} : memref<64x128xf32, #tpu.memory_space<vmem>>, vector<1x16xf32>,
      %get3A_158 = arith.index_cast %add3A_132 : i32 to index
      %get3A_159 = arith.constant 48 : index
      %get3A_160 = tpu.vector_load %arg7[%get3A_158, %get3A_159] {strides = array<i32>} : memref<128x128xf32, #tpu.memory_space<vmem>>, vector<1x16xf32>,
      %get3A_161 = vector.shape_cast %get3A_160 : vector<1x16xf32> to vector<16xf32>
      %swap3A_162 = arith.index_cast %scan3A_128 : i32 to index
      %swap3A_163 = arith.constant 48 : index
      %swap3A_164 = tpu.vector_load %arg9[%swap3A_162, %swap3A_163] {strides = array<i32>} : memref<64x128xf32, #tpu.memory_space<vmem>>, vector<1x16xf32>,
      %swap3A_165 = vector.shape_cast %swap3A_164 : vector<1x16xf32> to vector<16xf32>
      %swap3A_166 = vector.shape_cast %get3A_161 : vector<16xf32> to vector<1x16xf32>
      tpu.vector_store %arg9[%swap3A_162, %swap3A_163], %swap3A_166 {strides = array<i32>} : memref<64x128xf32, #tpu.memory_space<vmem>>, vector<1x16xf32>,
      %mul3A_167 = arith.constant 2 : i32
      %mul3A_168 = arith.muli %mul3A_167, %scan3A_128 : i32
      %add3A_169 = arith.constant 1 : i32
      %add3A_170 = arith.addi %mul3A_168, %add3A_169 : i32
      %get3A_171 = arith.index_cast %add3A_170 : i32 to index
      %get3A_172 = arith.constant 0 : index
      %get3A_173 = tpu.vector_load %arg7[%get3A_171, %get3A_172] {strides = array<i32>} : memref<128x128xf32, #tpu.memory_space<vmem>>, vector<1x16xf32>,
      %get3A_174 = vector.shape_cast %get3A_173 : vector<1x16xf32> to vector<16xf32>
      %swap3A_175 = arith.index_cast %scan3A_128 : i32 to index
      %swap3A_176 = arith.constant 64 : index
      %swap3A_177 = tpu.vector_load %arg9[%swap3A_175, %swap3A_176] {strides = array<i32>} : memref<64x128xf32, #tpu.memory_space<vmem>>, vector<1x16xf32>,
      %swap3A_178 = vector.shape_cast %swap3A_177 : vector<1x16xf32> to vector<16xf32>
      %swap3A_179 = vector.shape_cast %get3A_174 : vector<16xf32> to vector<1x16xf32>
      tpu.vector_store %arg9[%swap3A_175, %swap3A_176], %swap3A_179 {strides = array<i32>} : memref<64x128xf32, #tpu.memory_space<vmem>>, vector<1x16xf32>,
      %get3A_180 = arith.index_cast %add3A_170 : i32 to index
      %get3A_181 = arith.constant 16 : index
      %get3A_182 = tpu.vector_load %arg7[%get3A_180, %get3A_181] {strides = array<i32>} : memref<128x128xf32, #tpu.memory_space<vmem>>, vector<1x16xf32>,
      %get3A_183 = vector.shape_cast %get3A_182 : vector<1x16xf32> to vector<16xf32>
      %swap3A_184 = arith.index_cast %scan3A_128 : i32 to index
      %swap3A_185 = arith.constant 80 : index
      %swap3A_186 = tpu.vector_load %arg9[%swap3A_184, %swap3A_185] {strides = array<i32>} : memref<64x128xf32, #tpu.memory_space<vmem>>, vector<1x16xf32>,
      %swap3A_187 = vector.shape_cast %swap3A_186 : vector<1x16xf32> to vector<16xf32>
      %swap3A_188 = vector.shape_cast %get3A_183 : vector<16xf32> to vector<1x16xf32>
      tpu.vector_store %arg9[%swap3A_184, %swap3A_185], %swap3A_188 {strides = array<i32>} : memref<64x128xf32, #tpu.memory_space<vmem>>, vector<1x16xf32>,
      %get3A_189 = arith.index_cast %add3A_170 : i32 to index
      %get3A_190 = arith.constant 32 : index
      %get3A_191 = tpu.vector_load %arg7[%get3A_189, %get3A_190] {strides = array<i32>} : memref<128x128xf32, #tpu.memory_space<vmem>>, vector<1x16xf32>,
      %get3A_192 = vector.shape_cast %get3A_191 : vector<1x16xf32> to vector<16xf32>
      %swap3A_193 = arith.index_cast %scan3A_128 : i32 to index
      %swap3A_194 = arith.constant 96 : index
      %swap3A_195 = tpu.vector_load %arg9[%swap3A_193, %swap3A_194] {strides = array<i32>} : memref<64x128xf32, #tpu.memory_space<vmem>>, vector<1x16xf32>,
      %swap3A_196 = vector.shape_cast %swap3A_195 : vector<1x16xf32> to vector<16xf32>
      %swap3A_197 = vector.shape_cast %get3A_192 : vector<16xf32> to vector<1x16xf32>
      tpu.vector_store %arg9[%swap3A_193, %swap3A_194], %swap3A_197 {strides = array<i32>} : memref<64x128xf32, #tpu.memory_space<vmem>>, vector<1x16xf32>,
      %get3A_198 = arith.index_cast %add3A_170 : i32 to index
      %get3A_199 = arith.constant 48 : index
      %get3A_200 = tpu.vector_load %arg7[%get3A_198, %get3A_199] {strides = array<i32>} : memref<128x128xf32, #tpu.memory_space<vmem>>, vector<1x16xf32>,
      %get3A_201 = vector.shape_cast %get3A_200 : vector<1x16xf32> to vector<16xf32>
      %swap3A_202 = arith.index_cast %scan3A_128 : i32 to index
      %swap3A_203 = arith.constant 112 : index
      %swap3A_204 = tpu.vector_load %arg9[%swap3A_202, %swap3A_203] {strides = array<i32>} : memref<64x128xf32, #tpu.memory_space<vmem>>, vector<1x16xf32>,
      %swap3A_205 = vector.shape_cast %swap3A_204 : vector<1x16xf32> to vector<16xf32>
      %swap3A_206 = vector.shape_cast %get3A_201 : vector<16xf32> to vector<1x16xf32>
      tpu.vector_store %arg9[%swap3A_202, %swap3A_203], %swap3A_206 {strides = array<i32>} : memref<64x128xf32, #tpu.memory_space<vmem>>, vector<1x16xf32>,
    }
    %scan3A_54 = arith.constant 64 : i32
    %mul3A_55 = arith.constant 256 : i32
    %mul3A_56 = arith.muli %add3A, %mul3A_55 : i32
    %add3A_57 = arith.constant 64 : i32
    %add3A_58 = arith.addi %mul3A_56, %add3A_57 : i32
    %dma_start3A_59 = arith.constant 0 : i32
    %dma_start3A_60 = tpu.memref_slice %arg4[%add3A_58, %dma_start3A_59] : memref<8192x128xf32, #tpu.memory_space<hbm>> -> memref<64x128xf32, #tpu.memory_space<hbm>>
    %dma_start3A_61 = arith.constant 0 : i32
    %dma_start3A_62 = tpu.memref_slice %arg4[%add3A_58, %dma_start3A_61] : memref<8192x128xf32, #tpu.memory_space<hbm>> -> memref<64x128xf32, #tpu.memory_space<hbm>>
    tpu.enqueue_dma source(%arg9 : memref<64x128xf32, #tpu.memory_space<vmem>>) target(%dma_start3A_62 : memref<64x128xf32, #tpu.memory_space<hbm>>) target_semaphore(%arg13 : memref<!tpu.dma_semaphore, #tpu.memory_space<semaphore_mem>>)
    %dma_start3A_63 = arith.constant 3 : i32
    %dma_start3A_64 = arith.constant 0 : i32
    %dma_start3A_65 = tpu.memref_slice %arg5[%dma_start3A_63, %dma_start3A_64] : memref<4x128xi32, #tpu.memory_space<vmem>> -> memref<1x128xi32, #tpu.memory_space<vmem>>
    %dma_start3A_66 = tpu.memref_squeeze %dma_start3A_65 : memref<1x128xi32, #tpu.memory_space<vmem>> -> memref<128xi32, #tpu.memory_space<vmem>>
    %dma_start3A_67 = arith.constant 0 : i32
    %dma_start3A_68 = arith.constant 0 : i32
    %dma_start3A_69 = tpu.memref_slice %arg2[%dma_start3A_67, %dma_start3A_68] : memref<1024x128xf32, #tpu.memory_space<hbm>> -> memref<1024x128xf32, #tpu.memory_space<hbm>>
    tpu.enqueue_indirect_dma source(%dma_start3A_69 : memref<1024x128xf32, #tpu.memory_space<hbm>>) target(%arg7 : memref<128x128xf32, #tpu.memory_space<vmem>>) offsets(%dma_start3A_66 : memref<128xi32, #tpu.memory_space<vmem>>) semaphore(%arg11 : memref<!tpu.dma_semaphore, #tpu.memory_space<semaphore_mem>>)
    %dma_wait3A_70 = arith.constant 2 : i32
    %dma_wait3A_71 = arith.constant 0 : i32
    %dma_wait3A_72 = tpu.memref_slice %arg5[%dma_wait3A_70, %dma_wait3A_71] : memref<4x128xi32, #tpu.memory_space<vmem>> -> memref<1x128xi32, #tpu.memory_space<vmem>>
    %dma_wait3A_73 = tpu.memref_squeeze %dma_wait3A_72 : memref<1x128xi32, #tpu.memory_space<vmem>> -> memref<128xi32, #tpu.memory_space<vmem>>
    %dma_wait3A_74 = arith.constant 0 : i32
    %dma_wait3A_75 = arith.constant 0 : i32
    %dma_wait3A_76 = tpu.memref_slice %arg2[%dma_wait3A_74, %dma_wait3A_75] : memref<1024x128xf32, #tpu.memory_space<hbm>> -> memref<1024x128xf32, #tpu.memory_space<hbm>>
    tpu.wait_indirect_dma semaphore(%arg10 : memref<!tpu.dma_semaphore, #tpu.memory_space<semaphore_mem>>) src(%dma_wait3A_76 : memref<1024x128xf32, #tpu.memory_space<hbm>>) dst(%arg6 : memref<128x128xf32, #tpu.memory_space<vmem>>)
    %dma_wait3A_77 = arith.constant 0 : i32
    %dma_wait3A_78 = tpu.memref_slice %arg4[%add3A_30, %dma_wait3A_77] : memref<8192x128xf32, #tpu.memory_space<hbm>> -> memref<64x128xf32, #tpu.memory_space<hbm>>
    %dma_wait3A_79 = arith.constant 0 : i32
    %dma_wait3A_80 = tpu.memref_slice %arg4[%add3A_30, %dma_wait3A_79] : memref<8192x128xf32, #tpu.memory_space<hbm>> -> memref<64x128xf32, #tpu.memory_space<hbm>>
    tpu.wait_dma2 semaphore(%arg12 : memref<!tpu.dma_semaphore, #tpu.memory_space<semaphore_mem>>) src(%arg8 : memref<64x128xf32, #tpu.memory_space<vmem>>) dst(%dma_wait3A_80 : memref<64x128xf32, #tpu.memory_space<hbm>>)
    %scan3A_81 = arith.constant 0 : i32
    %scan3A_82 = arith.constant 0 : i32
    %scan3A_83 = arith.constant 64 : i32
    %scan3A_84 = arith.addi %scan3A_82, %scan3A_83 : i32
    %scan3A_85 = arith.constant 1 : i32
    scf.for %scan3A_128 = %scan3A_82 to %scan3A_84 step %scan3A_85  : i32 {
      %mul3A_129 = arith.constant 2 : i32
      %mul3A_130 = arith.muli %mul3A_129, %scan3A_128 : i32
      %add3A_131 = arith.constant 0 : i32
      %add3A_132 = arith.addi %mul3A_130, %add3A_131 : i32
      %get3A = arith.index_cast %add3A_132 : i32 to index
      %get3A_133 = arith.constant 0 : index
      %get3A_134 = tpu.vector_load %arg6[%get3A, %get3A_133] {strides = array<i32>} : memref<128x128xf32, #tpu.memory_space<vmem>>, vector<1x16xf32>,
      %get3A_135 = vector.shape_cast %get3A_134 : vector<1x16xf32> to vector<16xf32>
      %swap3A = arith.index_cast %scan3A_128 : i32 to index
      %swap3A_136 = arith.constant 0 : index
      %swap3A_137 = tpu.vector_load %arg8[%swap3A, %swap3A_136] {strides = array<i32>} : memref<64x128xf32, #tpu.memory_space<vmem>>, vector<1x16xf32>,
      %swap3A_138 = vector.shape_cast %swap3A_137 : vector<1x16xf32> to vector<16xf32>
      %swap3A_139 = vector.shape_cast %get3A_135 : vector<16xf32> to vector<1x16xf32>
      tpu.vector_store %arg8[%swap3A, %swap3A_136], %swap3A_139 {strides = array<i32>} : memref<64x128xf32, #tpu.memory_space<vmem>>, vector<1x16xf32>,
      %get3A_140 = arith.index_cast %add3A_132 : i32 to index
      %get3A_141 = arith.constant 16 : index
      %get3A_142 = tpu.vector_load %arg6[%get3A_140, %get3A_141] {strides = array<i32>} : memref<128x128xf32, #tpu.memory_space<vmem>>, vector<1x16xf32>,
      %get3A_143 = vector.shape_cast %get3A_142 : vector<1x16xf32> to vector<16xf32>
      %swap3A_144 = arith.index_cast %scan3A_128 : i32 to index
      %swap3A_145 = arith.constant 16 : index
      %swap3A_146 = tpu.vector_load %arg8[%swap3A_144, %swap3A_145] {strides = array<i32>} : memref<64x128xf32, #tpu.memory_space<vmem>>, vector<1x16xf32>,
      %swap3A_147 = vector.shape_cast %swap3A_146 : vector<1x16xf32> to vector<16xf32>
      %swap3A_148 = vector.shape_cast %get3A_143 : vector<16xf32> to vector<1x16xf32>
      tpu.vector_store %arg8[%swap3A_144, %swap3A_145], %swap3A_148 {strides = array<i32>} : memref<64x128xf32, #tpu.memory_space<vmem>>, vector<1x16xf32>,
      %get3A_149 = arith.index_cast %add3A_132 : i32 to index
      %get3A_150 = arith.constant 32 : index
      %get3A_151 = tpu.vector_load %arg6[%get3A_149, %get3A_150] {strides = array<i32>} : memref<128x128xf32, #tpu.memory_space<vmem>>, vector<1x16xf32>,
      %get3A_152 = vector.shape_cast %get3A_151 : vector<1x16xf32> to vector<16xf32>
      %swap3A_153 = arith.index_cast %scan3A_128 : i32 to index
      %swap3A_154 = arith.constant 32 : index
      %swap3A_155 = tpu.vector_load %arg8[%swap3A_153, %swap3A_154] {strides = array<i32>} : memref<64x128xf32, #tpu.memory_space<vmem>>, vector<1x16xf32>,
      %swap3A_156 = vector.shape_cast %swap3A_155 : vector<1x16xf32> to vector<16xf32>
      %swap3A_157 = vector.shape_cast %get3A_152 : vector<16xf32> to vector<1x16xf32>
      tpu.vector_store %arg8[%swap3A_153, %swap3A_154], %swap3A_157 {strides = array<i32>} : memref<64x128xf32, #tpu.memory_space<vmem>>, vector<1x16xf32>,
      %get3A_158 = arith.index_cast %add3A_132 : i32 to index
      %get3A_159 = arith.constant 48 : index
      %get3A_160 = tpu.vector_load %arg6[%get3A_158, %get3A_159] {strides = array<i32>} : memref<128x128xf32, #tpu.memory_space<vmem>>, vector<1x16xf32>,
      %get3A_161 = vector.shape_cast %get3A_160 : vector<1x16xf32> to vector<16xf32>
      %swap3A_162 = arith.index_cast %scan3A_128 : i32 to index
      %swap3A_163 = arith.constant 48 : index
      %swap3A_164 = tpu.vector_load %arg8[%swap3A_162, %swap3A_163] {strides = array<i32>} : memref<64x128xf32, #tpu.memory_space<vmem>>, vector<1x16xf32>,
      %swap3A_165 = vector.shape_cast %swap3A_164 : vector<1x16xf32> to vector<16xf32>
      %swap3A_166 = vector.shape_cast %get3A_161 : vector<16xf32> to vector<1x16xf32>
      tpu.vector_store %arg8[%swap3A_162, %swap3A_163], %swap3A_166 {strides = array<i32>} : memref<64x128xf32, #tpu.memory_space<vmem>>, vector<1x16xf32>,
      %mul3A_167 = arith.constant 2 : i32
      %mul3A_168 = arith.muli %mul3A_167, %scan3A_128 : i32
      %add3A_169 = arith.constant 1 : i32
      %add3A_170 = arith.addi %mul3A_168, %add3A_169 : i32
      %get3A_171 = arith.index_cast %add3A_170 : i32 to index
      %get3A_172 = arith.constant 0 : index
      %get3A_173 = tpu.vector_load %arg6[%get3A_171, %get3A_172] {strides = array<i32>} : memref<128x128xf32, #tpu.memory_space<vmem>>, vector<1x16xf32>,
      %get3A_174 = vector.shape_cast %get3A_173 : vector<1x16xf32> to vector<16xf32>
      %swap3A_175 = arith.index_cast %scan3A_128 : i32 to index
      %swap3A_176 = arith.constant 64 : index
      %swap3A_177 = tpu.vector_load %arg8[%swap3A_175, %swap3A_176] {strides = array<i32>} : memref<64x128xf32, #tpu.memory_space<vmem>>, vector<1x16xf32>,
      %swap3A_178 = vector.shape_cast %swap3A_177 : vector<1x16xf32> to vector<16xf32>
      %swap3A_179 = vector.shape_cast %get3A_174 : vector<16xf32> to vector<1x16xf32>
      tpu.vector_store %arg8[%swap3A_175, %swap3A_176], %swap3A_179 {strides = array<i32>} : memref<64x128xf32, #tpu.memory_space<vmem>>, vector<1x16xf32>,
      %get3A_180 = arith.index_cast %add3A_170 : i32 to index
      %get3A_181 = arith.constant 16 : index
      %get3A_182 = tpu.vector_load %arg6[%get3A_180, %get3A_181] {strides = array<i32>} : memref<128x128xf32, #tpu.memory_space<vmem>>, vector<1x16xf32>,
      %get3A_183 = vector.shape_cast %get3A_182 : vector<1x16xf32> to vector<16xf32>
      %swap3A_184 = arith.index_cast %scan3A_128 : i32 to index
      %swap3A_185 = arith.constant 80 : index
      %swap3A_186 = tpu.vector_load %arg8[%swap3A_184, %swap3A_185] {strides = array<i32>} : memref<64x128xf32, #tpu.memory_space<vmem>>, vector<1x16xf32>,
      %swap3A_187 = vector.shape_cast %swap3A_186 : vector<1x16xf32> to vector<16xf32>
      %swap3A_188 = vector.shape_cast %get3A_183 : vector<16xf32> to vector<1x16xf32>
      tpu.vector_store %arg8[%swap3A_184, %swap3A_185], %swap3A_188 {strides = array<i32>} : memref<64x128xf32, #tpu.memory_space<vmem>>, vector<1x16xf32>,
      %get3A_189 = arith.index_cast %add3A_170 : i32 to index
      %get3A_190 = arith.constant 32 : index
      %get3A_191 = tpu.vector_load %arg6[%get3A_189, %get3A_190] {strides = array<i32>} : memref<128x128xf32, #tpu.memory_space<vmem>>, vector<1x16xf32>,
      %get3A_192 = vector.shape_cast %get3A_191 : vector<1x16xf32> to vector<16xf32>
      %swap3A_193 = arith.index_cast %scan3A_128 : i32 to index
      %swap3A_194 = arith.constant 96 : index
      %swap3A_195 = tpu.vector_load %arg8[%swap3A_193, %swap3A_194] {strides = array<i32>} : memref<64x128xf32, #tpu.memory_space<vmem>>, vector<1x16xf32>,
      %swap3A_196 = vector.shape_cast %swap3A_195 : vector<1x16xf32> to vector<16xf32>
      %swap3A_197 = vector.shape_cast %get3A_192 : vector<16xf32> to vector<1x16xf32>
      tpu.vector_store %arg8[%swap3A_193, %swap3A_194], %swap3A_197 {strides = array<i32>} : memref<64x128xf32, #tpu.memory_space<vmem>>, vector<1x16xf32>,
      %get3A_198 = arith.index_cast %add3A_170 : i32 to index
      %get3A_199 = arith.constant 48 : index
      %get3A_200 = tpu.vector_load %arg6[%get3A_198, %get3A_199] {strides = array<i32>} : memref<128x128xf32, #tpu.memory_space<vmem>>, vector<1x16xf32>,
      %get3A_201 = vector.shape_cast %get3A_200 : vector<1x16xf32> to vector<16xf32>
      %swap3A_202 = arith.index_cast %scan3A_128 : i32 to index
      %swap3A_203 = arith.constant 112 : index
      %swap3A_204 = tpu.vector_load %arg8[%swap3A_202, %swap3A_203] {strides = array<i32>} : memref<64x128xf32, #tpu.memory_space<vmem>>, vector<1x16xf32>,
      %swap3A_205 = vector.shape_cast %swap3A_204 : vector<1x16xf32> to vector<16xf32>
      %swap3A_206 = vector.shape_cast %get3A_201 : vector<16xf32> to vector<1x16xf32>
      tpu.vector_store %arg8[%swap3A_202, %swap3A_203], %swap3A_206 {strides = array<i32>} : memref<64x128xf32, #tpu.memory_space<vmem>>, vector<1x16xf32>,
    }
    %scan3A_86 = arith.constant 64 : i32
    %mul3A_87 = arith.constant 256 : i32
    %mul3A_88 = arith.muli %add3A, %mul3A_87 : i32
    %add3A_89 = arith.constant 128 : i32
    %add3A_90 = arith.addi %mul3A_88, %add3A_89 : i32
    %dma_start3A_91 = arith.constant 0 : i32
    %dma_start3A_92 = tpu.memref_slice %arg4[%add3A_90, %dma_start3A_91] : memref<8192x128xf32, #tpu.memory_space<hbm>> -> memref<64x128xf32, #tpu.memory_space<hbm>>
    %dma_start3A_93 = arith.constant 0 : i32
    %dma_start3A_94 = tpu.memref_slice %arg4[%add3A_90, %dma_start3A_93] : memref<8192x128xf32, #tpu.memory_space<hbm>> -> memref<64x128xf32, #tpu.memory_space<hbm>>
    tpu.enqueue_dma source(%arg8 : memref<64x128xf32, #tpu.memory_space<vmem>>) target(%dma_start3A_94 : memref<64x128xf32, #tpu.memory_space<hbm>>) target_semaphore(%arg12 : memref<!tpu.dma_semaphore, #tpu.memory_space<semaphore_mem>>)
    %dma_wait3A_95 = arith.constant 3 : i32
    %dma_wait3A_96 = arith.constant 0 : i32
    %dma_wait3A_97 = tpu.memref_slice %arg5[%dma_wait3A_95, %dma_wait3A_96] : memref<4x128xi32, #tpu.memory_space<vmem>> -> memref<1x128xi32, #tpu.memory_space<vmem>>
    %dma_wait3A_98 = tpu.memref_squeeze %dma_wait3A_97 : memref<1x128xi32, #tpu.memory_space<vmem>> -> memref<128xi32, #tpu.memory_space<vmem>>
    %dma_wait3A_99 = arith.constant 0 : i32
    %dma_wait3A_100 = arith.constant 0 : i32
    %dma_wait3A_101 = tpu.memref_slice %arg2[%dma_wait3A_99, %dma_wait3A_100] : memref<1024x128xf32, #tpu.memory_space<hbm>> -> memref<1024x128xf32, #tpu.memory_space<hbm>>
    tpu.wait_indirect_dma semaphore(%arg11 : memref<!tpu.dma_semaphore, #tpu.memory_space<semaphore_mem>>) src(%dma_wait3A_101 : memref<1024x128xf32, #tpu.memory_space<hbm>>) dst(%arg7 : memref<128x128xf32, #tpu.memory_space<vmem>>)
    %dma_wait3A_102 = arith.constant 0 : i32
    %dma_wait3A_103 = tpu.memref_slice %arg4[%add3A_58, %dma_wait3A_102] : memref<8192x128xf32, #tpu.memory_space<hbm>> -> memref<64x128xf32, #tpu.memory_space<hbm>>
    %dma_wait3A_104 = arith.constant 0 : i32
    %dma_wait3A_105 = tpu.memref_slice %arg4[%add3A_58, %dma_wait3A_104] : memref<8192x128xf32, #tpu.memory_space<hbm>> -> memref<64x128xf32, #tpu.memory_space<hbm>>
    tpu.wait_dma2 semaphore(%arg13 : memref<!tpu.dma_semaphore, #tpu.memory_space<semaphore_mem>>) src(%arg9 : memref<64x128xf32, #tpu.memory_space<vmem>>) dst(%dma_wait3A_105 : memref<64x128xf32, #tpu.memory_space<hbm>>)
    %scan3A_106 = arith.constant 0 : i32
    %scan3A_107 = arith.constant 0 : i32
    %scan3A_108 = arith.constant 64 : i32
    %scan3A_109 = arith.addi %scan3A_107, %scan3A_108 : i32
    %scan3A_110 = arith.constant 1 : i32
    scf.for %scan3A_128 = %scan3A_107 to %scan3A_109 step %scan3A_110  : i32 {
      %mul3A_129 = arith.constant 2 : i32
      %mul3A_130 = arith.muli %mul3A_129, %scan3A_128 : i32
      %add3A_131 = arith.constant 0 : i32
      %add3A_132 = arith.addi %mul3A_130, %add3A_131 : i32
      %get3A = arith.index_cast %add3A_132 : i32 to index
      %get3A_133 = arith.constant 0 : index
      %get3A_134 = tpu.vector_load %arg7[%get3A, %get3A_133] {strides = array<i32>} : memref<128x128xf32, #tpu.memory_space<vmem>>, vector<1x16xf32>,
      %get3A_135 = vector.shape_cast %get3A_134 : vector<1x16xf32> to vector<16xf32>
      %swap3A = arith.index_cast %scan3A_128 : i32 to index
      %swap3A_136 = arith.constant 0 : index
      %swap3A_137 = tpu.vector_load %arg9[%swap3A, %swap3A_136] {strides = array<i32>} : memref<64x128xf32, #tpu.memory_space<vmem>>, vector<1x16xf32>,
      %swap3A_138 = vector.shape_cast %swap3A_137 : vector<1x16xf32> to vector<16xf32>
      %swap3A_139 = vector.shape_cast %get3A_135 : vector<16xf32> to vector<1x16xf32>
      tpu.vector_store %arg9[%swap3A, %swap3A_136], %swap3A_139 {strides = array<i32>} : memref<64x128xf32, #tpu.memory_space<vmem>>, vector<1x16xf32>,
      %get3A_140 = arith.index_cast %add3A_132 : i32 to index
      %get3A_141 = arith.constant 16 : index
      %get3A_142 = tpu.vector_load %arg7[%get3A_140, %get3A_141] {strides = array<i32>} : memref<128x128xf32, #tpu.memory_space<vmem>>, vector<1x16xf32>,
      %get3A_143 = vector.shape_cast %get3A_142 : vector<1x16xf32> to vector<16xf32>
      %swap3A_144 = arith.index_cast %scan3A_128 : i32 to index
      %swap3A_145 = arith.constant 16 : index
      %swap3A_146 = tpu.vector_load %arg9[%swap3A_144, %swap3A_145] {strides = array<i32>} : memref<64x128xf32, #tpu.memory_space<vmem>>, vector<1x16xf32>,
      %swap3A_147 = vector.shape_cast %swap3A_146 : vector<1x16xf32> to vector<16xf32>
      %swap3A_148 = vector.shape_cast %get3A_143 : vector<16xf32> to vector<1x16xf32>
      tpu.vector_store %arg9[%swap3A_144, %swap3A_145], %swap3A_148 {strides = array<i32>} : memref<64x128xf32, #tpu.memory_space<vmem>>, vector<1x16xf32>,
      %get3A_149 = arith.index_cast %add3A_132 : i32 to index
      %get3A_150 = arith.constant 32 : index
      %get3A_151 = tpu.vector_load %arg7[%get3A_149, %get3A_150] {strides = array<i32>} : memref<128x128xf32, #tpu.memory_space<vmem>>, vector<1x16xf32>,
      %get3A_152 = vector.shape_cast %get3A_151 : vector<1x16xf32> to vector<16xf32>
      %swap3A_153 = arith.index_cast %scan3A_128 : i32 to index
      %swap3A_154 = arith.constant 32 : index
      %swap3A_155 = tpu.vector_load %arg9[%swap3A_153, %swap3A_154] {strides = array<i32>} : memref<64x128xf32, #tpu.memory_space<vmem>>, vector<1x16xf32>,
      %swap3A_156 = vector.shape_cast %swap3A_155 : vector<1x16xf32> to vector<16xf32>
      %swap3A_157 = vector.shape_cast %get3A_152 : vector<16xf32> to vector<1x16xf32>
      tpu.vector_store %arg9[%swap3A_153, %swap3A_154], %swap3A_157 {strides = array<i32>} : memref<64x128xf32, #tpu.memory_space<vmem>>, vector<1x16xf32>,
      %get3A_158 = arith.index_cast %add3A_132 : i32 to index
      %get3A_159 = arith.constant 48 : index
      %get3A_160 = tpu.vector_load %arg7[%get3A_158, %get3A_159] {strides = array<i32>} : memref<128x128xf32, #tpu.memory_space<vmem>>, vector<1x16xf32>,
      %get3A_161 = vector.shape_cast %get3A_160 : vector<1x16xf32> to vector<16xf32>
      %swap3A_162 = arith.index_cast %scan3A_128 : i32 to index
      %swap3A_163 = arith.constant 48 : index
      %swap3A_164 = tpu.vector_load %arg9[%swap3A_162, %swap3A_163] {strides = array<i32>} : memref<64x128xf32, #tpu.memory_space<vmem>>, vector<1x16xf32>,
      %swap3A_165 = vector.shape_cast %swap3A_164 : vector<1x16xf32> to vector<16xf32>
      %swap3A_166 = vector.shape_cast %get3A_161 : vector<16xf32> to vector<1x16xf32>
      tpu.vector_store %arg9[%swap3A_162, %swap3A_163], %swap3A_166 {strides = array<i32>} : memref<64x128xf32, #tpu.memory_space<vmem>>, vector<1x16xf32>,
      %mul3A_167 = arith.constant 2 : i32
      %mul3A_168 = arith.muli %mul3A_167, %scan3A_128 : i32
      %add3A_169 = arith.constant 1 : i32
      %add3A_170 = arith.addi %mul3A_168, %add3A_169 : i32
      %get3A_171 = arith.index_cast %add3A_170 : i32 to index
      %get3A_172 = arith.constant 0 : index
      %get3A_173 = tpu.vector_load %arg7[%get3A_171, %get3A_172] {strides = array<i32>} : memref<128x128xf32, #tpu.memory_space<vmem>>, vector<1x16xf32>,
      %get3A_174 = vector.shape_cast %get3A_173 : vector<1x16xf32> to vector<16xf32>
      %swap3A_175 = arith.index_cast %scan3A_128 : i32 to index
      %swap3A_176 = arith.constant 64 : index
      %swap3A_177 = tpu.vector_load %arg9[%swap3A_175, %swap3A_176] {strides = array<i32>} : memref<64x128xf32, #tpu.memory_space<vmem>>, vector<1x16xf32>,
      %swap3A_178 = vector.shape_cast %swap3A_177 : vector<1x16xf32> to vector<16xf32>
      %swap3A_179 = vector.shape_cast %get3A_174 : vector<16xf32> to vector<1x16xf32>
      tpu.vector_store %arg9[%swap3A_175, %swap3A_176], %swap3A_179 {strides = array<i32>} : memref<64x128xf32, #tpu.memory_space<vmem>>, vector<1x16xf32>,
      %get3A_180 = arith.index_cast %add3A_170 : i32 to index
      %get3A_181 = arith.constant 16 : index
      %get3A_182 = tpu.vector_load %arg7[%get3A_180, %get3A_181] {strides = array<i32>} : memref<128x128xf32, #tpu.memory_space<vmem>>, vector<1x16xf32>,
      %get3A_183 = vector.shape_cast %get3A_182 : vector<1x16xf32> to vector<16xf32>
      %swap3A_184 = arith.index_cast %scan3A_128 : i32 to index
      %swap3A_185 = arith.constant 80 : index
      %swap3A_186 = tpu.vector_load %arg9[%swap3A_184, %swap3A_185] {strides = array<i32>} : memref<64x128xf32, #tpu.memory_space<vmem>>, vector<1x16xf32>,
      %swap3A_187 = vector.shape_cast %swap3A_186 : vector<1x16xf32> to vector<16xf32>
      %swap3A_188 = vector.shape_cast %get3A_183 : vector<16xf32> to vector<1x16xf32>
      tpu.vector_store %arg9[%swap3A_184, %swap3A_185], %swap3A_188 {strides = array<i32>} : memref<64x128xf32, #tpu.memory_space<vmem>>, vector<1x16xf32>,
      %get3A_189 = arith.index_cast %add3A_170 : i32 to index
      %get3A_190 = arith.constant 32 : index
      %get3A_191 = tpu.vector_load %arg7[%get3A_189, %get3A_190] {strides = array<i32>} : memref<128x128xf32, #tpu.memory_space<vmem>>, vector<1x16xf32>,
      %get3A_192 = vector.shape_cast %get3A_191 : vector<1x16xf32> to vector<16xf32>
      %swap3A_193 = arith.index_cast %scan3A_128 : i32 to index
      %swap3A_194 = arith.constant 96 : index
      %swap3A_195 = tpu.vector_load %arg9[%swap3A_193, %swap3A_194] {strides = array<i32>} : memref<64x128xf32, #tpu.memory_space<vmem>>, vector<1x16xf32>,
      %swap3A_196 = vector.shape_cast %swap3A_195 : vector<1x16xf32> to vector<16xf32>
      %swap3A_197 = vector.shape_cast %get3A_192 : vector<16xf32> to vector<1x16xf32>
      tpu.vector_store %arg9[%swap3A_193, %swap3A_194], %swap3A_197 {strides = array<i32>} : memref<64x128xf32, #tpu.memory_space<vmem>>, vector<1x16xf32>,
      %get3A_198 = arith.index_cast %add3A_170 : i32 to index
      %get3A_199 = arith.constant 48 : index
      %get3A_200 = tpu.vector_load %arg7[%get3A_198, %get3A_199] {strides = array<i32>} : memref<128x128xf32, #tpu.memory_space<vmem>>, vector<1x16xf32>,
      %get3A_201 = vector.shape_cast %get3A_200 : vector<1x16xf32> to vector<16xf32>
      %swap3A_202 = arith.index_cast %scan3A_128 : i32 to index
      %swap3A_203 = arith.constant 112 : index
      %swap3A_204 = tpu.vector_load %arg9[%swap3A_202, %swap3A_203] {strides = array<i32>} : memref<64x128xf32, #tpu.memory_space<vmem>>, vector<1x16xf32>,
      %swap3A_205 = vector.shape_cast %swap3A_204 : vector<1x16xf32> to vector<16xf32>
      %swap3A_206 = vector.shape_cast %get3A_201 : vector<16xf32> to vector<1x16xf32>
      tpu.vector_store %arg9[%swap3A_202, %swap3A_203], %swap3A_206 {strides = array<i32>} : memref<64x128xf32, #tpu.memory_space<vmem>>, vector<1x16xf32>,
    }
    %scan3A_111 = arith.constant 64 : i32
    %mul3A_112 = arith.constant 256 : i32
    %mul3A_113 = arith.muli %add3A, %mul3A_112 : i32
    %add3A_114 = arith.constant 192 : i32
    %add3A_115 = arith.addi %mul3A_113, %add3A_114 : i32
    %dma_start3A_116 = arith.constant 0 : i32
    %dma_start3A_117 = tpu.memref_slice %arg4[%add3A_115, %dma_start3A_116] : memref<8192x128xf32, #tpu.memory_space<hbm>> -> memref<64x128xf32, #tpu.memory_space<hbm>>
    %dma_start3A_118 = arith.constant 0 : i32
    %dma_start3A_119 = tpu.memref_slice %arg4[%add3A_115, %dma_start3A_118] : memref<8192x128xf32, #tpu.memory_space<hbm>> -> memref<64x128xf32, #tpu.memory_space<hbm>>
    tpu.enqueue_dma source(%arg9 : memref<64x128xf32, #tpu.memory_space<vmem>>) target(%dma_start3A_119 : memref<64x128xf32, #tpu.memory_space<hbm>>) target_semaphore(%arg13 : memref<!tpu.dma_semaphore, #tpu.memory_space<semaphore_mem>>)
    %dma_wait3A_120 = arith.constant 0 : i32
    %dma_wait3A_121 = tpu.memref_slice %arg4[%add3A_90, %dma_wait3A_120] : memref<8192x128xf32, #tpu.memory_space<hbm>> -> memref<64x128xf32, #tpu.memory_space<hbm>>
    %dma_wait3A_122 = arith.constant 0 : i32
    %dma_wait3A_123 = tpu.memref_slice %arg4[%add3A_90, %dma_wait3A_122] : memref<8192x128xf32, #tpu.memory_space<hbm>> -> memref<64x128xf32, #tpu.memory_space<hbm>>
    tpu.wait_dma2 semaphore(%arg12 : memref<!tpu.dma_semaphore, #tpu.memory_space<semaphore_mem>>) src(%arg8 : memref<64x128xf32, #tpu.memory_space<vmem>>) dst(%dma_wait3A_123 : memref<64x128xf32, #tpu.memory_space<hbm>>)
    %dma_wait3A_124 = arith.constant 0 : i32
    %dma_wait3A_125 = tpu.memref_slice %arg4[%add3A_115, %dma_wait3A_124] : memref<8192x128xf32, #tpu.memory_space<hbm>> -> memref<64x128xf32, #tpu.memory_space<hbm>>
    %dma_wait3A_126 = arith.constant 0 : i32
    %dma_wait3A_127 = tpu.memref_slice %arg4[%add3A_115, %dma_wait3A_126] : memref<8192x128xf32, #tpu.memory_space<hbm>> -> memref<64x128xf32, #tpu.memory_space<hbm>>
    tpu.wait_dma2 semaphore(%arg13 : memref<!tpu.dma_semaphore, #tpu.memory_space<semaphore_mem>>) src(%arg9 : memref<64x128xf32, #tpu.memory_space<vmem>>) dst(%dma_wait3A_127 : memref<64x128xf32, #tpu.memory_space<hbm>>)
    return
  }
}

module attributes {stable_mosaic.version = 14 : i64} {
  func.func @_argmin_kernel(%arg0: i32, %arg1: memref<1024x64xf32, #tpu.memory_space<vmem>>, %arg2: memref<1024x64xf32, #tpu.memory_space<vmem>>, %arg3: memref<8x128xi32, #tpu.memory_space<vmem>>, %arg4: memref<1x1xf32, #tpu.memory_space<vmem>>, %arg5: memref<1x1xf32, #tpu.memory_space<vmem>>, %arg6: memref<1x1024xf32, #tpu.memory_space<vmem>>, %arg7: memref<1x1xf32, #tpu.memory_space<smem>>) attributes {dimension_semantics = [#tpu.dimension_semantics<arbitrary>], iteration_bounds = array<i64: 16>, scalar_prefetch = 0 : i64, scratch_operands = 2 : i64, tpu.core_type = #tpu.core_type<tc>, window_params = [{transform_indices = @transform_0, window_bounds = array<i64: 1024, 64>}, {pipeline_mode = #tpu.pipeline_mode<synchronous>, transform_indices = @transform_1, window_bounds = array<i64: 1024, 64>}, {transform_indices = @transform_2, window_bounds = array<i64: 8, 128>}, {pipeline_mode = #tpu.pipeline_mode<synchronous>, transform_indices = @transform_3, window_bounds = array<i64: 1, 1>}, {pipeline_mode = #tpu.pipeline_mode<synchronous>, transform_indices = @transform_4, window_bounds = array<i64: 1, 1>}]} {
    %get3A = arith.constant 0 : index
    %get3A_0 = arith.constant 0 : index
    %get3A_1 = vector.load %arg1[%get3A, %get3A_0] : memref<1024x64xf32, #tpu.memory_space<vmem>>, vector<1024x64xf32>
    %get3A_2 = arith.constant 0 : index
    %get3A_3 = arith.constant 0 : index
    %get3A_4 = vector.load %arg2[%get3A_2, %get3A_3] : memref<1024x64xf32, #tpu.memory_space<vmem>>, vector<1024x64xf32>
    %mul3A = arith.constant -2.000000e+00 : f32
    %mul3A_5 = vector.broadcast %mul3A : f32 to vector<1024x64xf32>
    %mul3A_6 = arith.mulf %get3A_4, %mul3A_5 : vector<1024x64xf32>
    %dot_general3A = arith.constant dense<0.000000e+00> : vector<1024x1024xf32>
    %dot_general3A_7 = tpu.matmul %get3A_1, %mul3A_6, %dot_general3A {dimension_numbers = #tpu.dot_dimension_numbers<[1], [1], [0], [0], [0, 0, 1, 0], [], []>, transpose_lhs_hint = false} : vector<1024x64xf32>, vector<1024x64xf32>, vector<1024x1024xf32> -> vector<1024x1024xf32>
    %mul3A_8 = arith.mulf %get3A_1, %get3A_1 : vector<1024x64xf32>
    %reduce_sum3A = arith.constant dense<0.000000e+00> : vector<1024xf32>
    %reduce_sum3A_9 = vector.multi_reduction <add>, %mul3A_8, %reduce_sum3A [1] : vector<1024x64xf32> to vector<1024xf32>
    %broadcast_in_dim3A = vector.shape_cast %reduce_sum3A_9 : vector<1024xf32> to vector<1024x1xf32>
    %mul3A_10 = arith.mulf %get3A_4, %get3A_4 : vector<1024x64xf32>
    %reduce_sum3A_11 = arith.constant dense<0.000000e+00> : vector<1024xf32>
    %reduce_sum3A_12 = vector.multi_reduction <add>, %mul3A_10, %reduce_sum3A_11 [1] : vector<1024x64xf32> to vector<1024xf32>
    %broadcast_in_dim3A_13 = vector.shape_cast %reduce_sum3A_12 : vector<1024xf32> to vector<1x1024xf32>
    %add3A = vector.broadcast %broadcast_in_dim3A : vector<1024x1xf32> to vector<1024x1024xf32>
    %add3A_14 = vector.broadcast %broadcast_in_dim3A_13 : vector<1x1024xf32> to vector<1024x1024xf32>
    %add3A_15 = arith.addf %add3A, %add3A_14 : vector<1024x1024xf32>
    %add3A_16 = arith.addf %add3A_15, %dot_general3A_7 : vector<1024x1024xf32>
    %reduce_min3A = arith.constant dense<0x7F800000> : vector<1024xf32>
    %reduce_min3A_17 = vector.multi_reduction <minimumf>, %add3A_16, %reduce_min3A [1] : vector<1024x1024xf32> to vector<1024xf32>
    %broadcast_in_dim3A_18 = vector.shape_cast %reduce_min3A_17 : vector<1024xf32> to vector<1024x1xf32>
    %iota3A = tpu.iota {dimensions = array<i32: 1>} : vector<1024x1024xi32>
    %eq3A = vector.broadcast %broadcast_in_dim3A_18 : vector<1024x1xf32> to vector<1024x1024xf32>
    %eq3A_19 = arith.cmpf oeq, %add3A_16, %eq3A : vector<1024x1024xf32>
    %jit3A = arith.constant 1024 : i32
    %broadcast_in_dim3A_20 = vector.broadcast %jit3A : i32 to vector<1024x1024xi32>
    %select_n3A = arith.select %eq3A_19, %iota3A, %broadcast_in_dim3A_20 : vector<1024x1024xi1>, vector<1024x1024xi32>
    %reduce_min3A_21 = arith.constant dense<2147483647> : vector<1024xi32>
    %reduce_min3A_22 = vector.multi_reduction <minsi>, %select_n3A, %reduce_min3A_21 [1] : vector<1024x1024xi32> to vector<1024xi32>
    %reshape3A = vector.shape_cast %reduce_min3A_22 : vector<1024xi32> to vector<8x128xi32>
    %swap3A = arith.constant 0 : index
    %swap3A_23 = arith.constant 0 : index
    %swap3A_24 = vector.load %arg3[%swap3A, %swap3A_23] : memref<8x128xi32, #tpu.memory_space<vmem>>, vector<8x128xi32>
    tpu.vector_store %arg3[%swap3A, %swap3A_23], %reshape3A {strides = array<i32>} : memref<8x128xi32, #tpu.memory_space<vmem>>, vector<8x128xi32>,
    %broadcast_in_dim3A_25 = vector.shape_cast %reduce_min3A_22 : vector<1024xi32> to vector<1024x1xi32>
    %eq3A_26 = vector.broadcast %broadcast_in_dim3A_25 : vector<1024x1xi32> to vector<1024x1024xi32>
    %eq3A_27 = arith.cmpi eq, %iota3A, %eq3A_26 : vector<1024x1024xi32>
    %convert_element_type3A = arith.extui %eq3A_27 : vector<1024x1024xi1> to vector<1024x1024xi32>
    %convert_element_type3A_28 = arith.sitofp %convert_element_type3A : vector<1024x1024xi32> to vector<1024x1024xf32>
    %broadcast_in_dim3A_29 = arith.constant 1.000000e+00 : f32
    %broadcast_in_dim3A_30 = vector.broadcast %broadcast_in_dim3A_29 : f32 to vector<1x1024xf32>
    %dot_general3A_31 = arith.constant dense<0.000000e+00> : vector<1x1024xf32>
    %dot_general3A_32 = tpu.matmul %broadcast_in_dim3A_30, %convert_element_type3A_28, %dot_general3A_31 {dimension_numbers = #tpu.dot_dimension_numbers<[1], [0], [0], [1], [0, 0, 1, 1], [], []>, transpose_lhs_hint = false} : vector<1x1024xf32>, vector<1024x1024xf32>, vector<1x1024xf32> -> vector<1x1024xf32>
    %reduce_sum3A_33 = vector.shape_cast %broadcast_in_dim3A_18 : vector<1024x1xf32> to vector<1x1024x1xf32>
    %reduce_sum3A_34 = arith.constant dense<0.000000e+00> : vector<1xf32>
    %reduce_sum3A_35 = vector.multi_reduction <add>, %reduce_sum3A_33, %reduce_sum3A_34 [1, 2] : vector<1x1024x1xf32> to vector<1xf32>
    %reduce_sum3A_36 = vector.shape_cast %reduce_sum3A_35 : vector<1xf32> to vector<1x1x1xf32>
    %reduce_sum3A_37 = vector.extract %reduce_sum3A_36[0, 0, 0] : f32 from vector<1x1x1xf32>
    %eq3A_38 = arith.constant 0 : i32
    %eq3A_39 = arith.cmpi eq, %arg0, %eq3A_38 : i32
    %convert_element_type3A_40 = arith.extui %eq3A_39 : i1 to i32
    %cond3A = arith.constant 0 : i32
    %cond3A_41 = arith.cmpi ne, %convert_element_type3A_40, %cond3A : i32
    scf.if %cond3A_41 {
      %swap3A_51 = arith.constant 0 : index
      %swap3A_52 = arith.constant 0 : index
      %swap3A_53 = vector.load %arg6[%swap3A_51, %swap3A_52] : memref<1x1024xf32, #tpu.memory_space<vmem>>, vector<1x1024xf32>
      tpu.vector_store %arg6[%swap3A_51, %swap3A_52], %dot_general3A_32 {strides = array<i32>} : memref<1x1024xf32, #tpu.memory_space<vmem>>, vector<1x1024xf32>,
      %swap3A_54 = arith.constant 0 : index
      %swap3A_55 = arith.constant 0 : index
      %swap3A_56 = memref.load %arg7[%swap3A_54, %swap3A_55] : memref<1x1xf32, #tpu.memory_space<smem>>
      memref.store %reduce_sum3A_37, %arg7[%swap3A_54, %swap3A_55] : memref<1x1xf32, #tpu.memory_space<smem>>
    } else {
    }
    %gt3A = arith.constant 0 : i32
    %gt3A_42 = arith.cmpi sgt, %arg0, %gt3A : i32
    %convert_element_type3A_43 = arith.extui %gt3A_42 : i1 to i32
    %cond3A_44 = arith.constant 0 : i32
    %cond3A_45 = arith.cmpi ne, %convert_element_type3A_43, %cond3A_44 : i32
    scf.if %cond3A_45 {
      %get3A_51 = arith.constant 0 : index
      %get3A_52 = arith.constant 0 : index
      %get3A_53 = vector.load %arg6[%get3A_51, %get3A_52] : memref<1x1024xf32, #tpu.memory_space<vmem>>, vector<1x1024xf32>
      %add3A_54 = arith.addf %get3A_53, %dot_general3A_32 : vector<1x1024xf32>
      %swap3A_55 = arith.constant 0 : index
      %swap3A_56 = arith.constant 0 : index
      %swap3A_57 = vector.load %arg6[%swap3A_55, %swap3A_56] : memref<1x1024xf32, #tpu.memory_space<vmem>>, vector<1x1024xf32>
      tpu.vector_store %arg6[%swap3A_55, %swap3A_56], %add3A_54 {strides = array<i32>} : memref<1x1024xf32, #tpu.memory_space<vmem>>, vector<1x1024xf32>,
      %get3A_58 = arith.constant 0 : index
      %get3A_59 = arith.constant 0 : index
      %get3A_60 = memref.load %arg7[%get3A_58, %get3A_59] : memref<1x1xf32, #tpu.memory_space<smem>>
      %add3A_61 = arith.addf %get3A_60, %reduce_sum3A_37 : f32
      %swap3A_62 = arith.constant 0 : index
      %swap3A_63 = arith.constant 0 : index
      %swap3A_64 = memref.load %arg7[%swap3A_62, %swap3A_63] : memref<1x1xf32, #tpu.memory_space<smem>>
      memref.store %add3A_61, %arg7[%swap3A_62, %swap3A_63] : memref<1x1xf32, #tpu.memory_space<smem>>
    } else {
    }
    %eq3A_46 = arith.constant 15 : i32
    %eq3A_47 = arith.cmpi eq, %arg0, %eq3A_46 : i32
    %convert_element_type3A_48 = arith.extui %eq3A_47 : i1 to i32
    %cond3A_49 = arith.constant 0 : i32
    %cond3A_50 = arith.cmpi ne, %convert_element_type3A_48, %cond3A_49 : i32
    scf.if %cond3A_50 {
      %get3A_51 = arith.constant 0 : index
      %get3A_52 = arith.constant 0 : index
      %get3A_53 = vector.load %arg6[%get3A_51, %get3A_52] : memref<1x1024xf32, #tpu.memory_space<vmem>>, vector<1x1024xf32>
      %div3A = arith.constant 1.638400e+04 : f32
      %div3A_54 = vector.broadcast %div3A : f32 to vector<1x1024xf32>
      %div3A_55 = arith.divf %get3A_53, %div3A_54 : vector<1x1024xf32>
      %add3A_56 = arith.constant 1.000000e-10 : f32
      %add3A_57 = vector.broadcast %add3A_56 : f32 to vector<1x1024xf32>
      %add3A_58 = arith.addf %div3A_55, %add3A_57 : vector<1x1024xf32>
      %log3A = math.log %add3A_58 : vector<1x1024xf32>
      %mul3A_59 = arith.mulf %div3A_55, %log3A : vector<1x1024xf32>
      %reduce_sum3A_60 = vector.shape_cast %mul3A_59 : vector<1x1024xf32> to vector<1x1x1024xf32>
      %reduce_sum3A_61 = arith.constant dense<0.000000e+00> : vector<1xf32>
      %reduce_sum3A_62 = vector.multi_reduction <add>, %reduce_sum3A_60, %reduce_sum3A_61 [1, 2] : vector<1x1x1024xf32> to vector<1xf32>
      %reduce_sum3A_63 = vector.shape_cast %reduce_sum3A_62 : vector<1xf32> to vector<1x1x1xf32>
      %reduce_sum3A_64 = vector.extract %reduce_sum3A_63[0, 0, 0] : f32 from vector<1x1x1xf32>
      %neg3A = arith.constant 0.000000e+00 : f32
      %neg3A_65 = arith.subf %neg3A, %reduce_sum3A_64 : f32
      %exp3A = math.exp %neg3A_65 : f32
      %broadcast_in_dim3A_66 = vector.broadcast %exp3A : f32 to vector<1x1xf32>
      %swap3A_67 = arith.constant 0 : index
      %swap3A_68 = arith.constant 0 : index
      %swap3A_69 = vector.load %arg5[%swap3A_67, %swap3A_68] : memref<1x1xf32, #tpu.memory_space<vmem>>, vector<1x1xf32>
      tpu.vector_store %arg5[%swap3A_67, %swap3A_68], %broadcast_in_dim3A_66 {strides = array<i32>} : memref<1x1xf32, #tpu.memory_space<vmem>>, vector<1x1xf32>,
      %get3A_70 = arith.constant 0 : index
      %get3A_71 = arith.constant 0 : index
      %get3A_72 = memref.load %arg7[%get3A_70, %get3A_71] : memref<1x1xf32, #tpu.memory_space<smem>>
      %mul3A_73 = arith.constant 1.250000e+00 : f32
      %mul3A_74 = arith.mulf %mul3A_73, %get3A_72 : f32
      %div3A_75 = arith.constant 0x49800000 : f32
      %div3A_76 = arith.divf %mul3A_74, %div3A_75 : f32
      %broadcast_in_dim3A_77 = vector.broadcast %div3A_76 : f32 to vector<1x1xf32>
      %swap3A_78 = arith.constant 0 : index
      %swap3A_79 = arith.constant 0 : index
      %swap3A_80 = vector.load %arg4[%swap3A_78, %swap3A_79] : memref<1x1xf32, #tpu.memory_space<vmem>>, vector<1x1xf32>
      tpu.vector_store %arg4[%swap3A_78, %swap3A_79], %broadcast_in_dim3A_77 {strides = array<i32>} : memref<1x1xf32, #tpu.memory_space<vmem>>, vector<1x1xf32>,
    } else {
    }
    return
  }
  func.func @transform_0(%arg0: i32) -> (i32, i32) {
    %c0_i32 = arith.constant 0 : i32
    %c0_i32_0 = arith.constant 0 : i32
    return %arg0, %c0_i32 : i32, i32
  }
  func.func @transform_1(%arg0: i32) -> (i32, i32) {
    %c0_i32 = arith.constant 0 : i32
    %c0_i32_0 = arith.constant 0 : i32
    %c0_i32_1 = arith.constant 0 : i32
    return %c0_i32, %c0_i32_0 : i32, i32
  }
  func.func @transform_2(%arg0: i32) -> (i32, i32) {
    %c0_i32 = arith.constant 0 : i32
    %c0_i32_0 = arith.constant 0 : i32
    return %arg0, %c0_i32 : i32, i32
  }
  func.func @transform_3(%arg0: i32) -> (i32, i32) {
    %c0_i32 = arith.constant 0 : i32
    %c0_i32_0 = arith.constant 0 : i32
    %c0_i32_1 = arith.constant 0 : i32
    return %c0_i32, %c0_i32_0 : i32, i32
  }
  func.func @transform_4(%arg0: i32) -> (i32, i32) {
    %c0_i32 = arith.constant 0 : i32
    %c0_i32_0 = arith.constant 0 : i32
    %c0_i32_1 = arith.constant 0 : i32
    return %c0_i32, %c0_i32_0 : i32, i32
  }
}

</mosaic_0001>

<sc_bundles>
// kernel: kernel.4.cloned.1.call-start
scs
__scs_entry_jumppad:
0x0: {  	(pc) =	sbr.rel $0x88, $3  }
0x1: {  	(tag) =	ssettag $0x0;
	lr =	simm.s32 $0x1  }
0x2: {  	[smem:$0x3F9F] =	sst lr;
	_ =	strace $0xD0000000  }
0x3: {  	_ = 	snop  }
0x4: {  	_ = 	snop  }
0x5: {  	_ = 	snop  }
0x6: {  	_ = 	snop  }
0x7: {  	_ = 	snop  }
__scs_overlays_trampoline_lowered:
0x8: {  	[smem:$0x3FAE] =	sst s0  }
0x9: {  	[smem:$0x3FAF] =	sst s1  }
0xa: {  	[smem:$0x3FB0] =	sst s2  }
0xb: {  	[smem:$0x3FB1] =	sst s3  }
0xc: {  	[smem:$0x3FB2] =	sst s4  }
0xd: {  	[smem:$0x3FB3] =	sst s5  }
0xe: {  	[smem:$0x3FB4] =	sst s6  }
0xf: {  	[smem:$0x3FB5] =	sst s7  }
0x10: {  	[smem:$0x3FB6] =	sst s8  }
0x11: {  	[smem:$0x3FB7] =	sst s9;
	s0 =	simm.s32 @!p0 $0x0  }
0x12: {  	s1 =	sld [smem:$0x3F9D];
	s0 =	simm.s32 @p0 $0x1  }
0x13: {  	[smem:$0x3FB8] =	sst s0;
	s0 =	simm.s32 @!p1 $0x0  }
0x14: {  	s2 =	sld [smem:$0x3F9C];
	s0 =	simm.s32 @p1 $0x1  }
0x15: {  	[smem:$0x3FB9] =	sst s0;
	s0 =	simm.s32 @!p2 $0x0  }
0x16: {  	s3 =	sld [smem:$0x3FDB];
	s0 =	simm.s32 @p2 $0x1  }
0x17: {  	s4 =	simm.s32 $0x1BF5;
	[smem:$0x3FBB] =	sst s0  }
0x18: {  	s0 =	sld [smem:$0x3F9E];
	_ =	swait.ge [sflag:s4], $0x0  }
0x19: {  	s7 =	sld [smem:$0x3F9F]  }
0x1a: {  	s8 =	sadd.s32 $0xFFFFE003, lr  }
0x1b: {  	s9 =	sadd.s32 $0xFFFFFEF7, lr;
	s5 =	simm.s32 $0xFFFFFFFF;
	p2 =	slt.u32 s8, $0xFFFFF086  }
0x1c: {  	p1 =	slt.u32 s9, $0xF7A;
	s5 =	simm.s32 @!p2 $0x0  }
0x1d: {  	s5 =	simm.s32 @p1 $0x1;
	p0 =	seq.s32 s7, s2  }
0x1e: {  	s7 =	smul.u32 @!p0 $0xF7A, s2;
	p2 =	seq.s32 @!p0 s5, $0x0  }
0x1f: {  	s9 =	smul.u32 $0xF7A, s1;
	s8 =	simm.s32 @!p0 $0x1BF5;
	p2 =	por !p2, p0  }
0x20: {  	[sflag:s8] =	ssyncset.s32 @!p0 $0xFFFFF086;
	s6 =	sadd.s32 @!p0 s3, s7;
	s7 =	simm.s32 @!p0 $0x108  }
0x21: {  	s3 =	sadd.s32 s3, s9;
	s6 =	sadd.s32 @!p0 $0x88, s6;
	s7 =	simm.s32 @p2 $0x1082  }
0x22: {  	[simem:s7], [sflag:s8] =	dma.local @!p0 [hbm:s6], $0xF7A  }
0x23: {  	s9 =	sor.u32 $0xD0000000, s2;
	s6 =	simm.s32 $0x108;
	_ =	swait.ge @!p0 [sflag:s8], $0x0  }
0x24: {  	s3 =	sadd.s32 $0x88, s3;
	s6 =	simm.s32 @!p1 $0x1082;
	[sflag:s4] =	ssyncset.s32 $0xFFFFF086  }
0x25: {  	[simem:s6], [sflag:s4] =	dma.local [hbm:s3], $0xF7A  }
0x26: {  	[smem:$0x3F9F] =	sst s1;
	(tag) =	ssettag s2;
	_ =	strace s9  }
0x27: {  	s1 =	sld [smem:$0x3FAF]  }
0x28: {  	s2 =	sld [smem:$0x3FB0]  }
0x29: {  	s4 =	sld [smem:$0x3FB2]  }
0x2a: {  	p0 =	seq.s32 s5, $0x0;
	s5 =	sld [smem:$0x3FB3]  }
0x2b: {  	s6 =	sld [smem:$0x3FB4]  }
0x2c: {  	s7 =	sld [smem:$0x3FB5]  }
0x2d: {  	s3 =	simm.s32 $0x108;
	s8 =	sld [smem:$0x3FB6]  }
0x2e: {  	s3 =	simm.s32 @!p0 $0x1082;
	s9 =	sld [smem:$0x3FB7]  }
0x2f: {  	lr =	sadd.s32 s0, s3;
	s0 =	sld [smem:$0x3FAE]  }
0x30: {  	s3 =	sld [smem:$0x3FB1]  }
0x31: {  	[smem:$0x3FBA] =	sst s10  }
0x32: {  	s10 =	sld [smem:$0x3FB8];
	_ =	sdelay $0x3  }
0x33: {  	p0 =	seq.s32 s10, $0x1;
	s10 =	sld [smem:$0x3FBA];
	_ =	sdelay $0x3  }
0x34: {  	[smem:$0x3FBA] =	sst s10  }
0x35: {  	s10 =	sld [smem:$0x3FB9];
	_ =	sdelay $0x3  }
0x36: {  	p1 =	seq.s32 s10, $0x1;
	s10 =	sld [smem:$0x3FBA];
	_ =	sdelay $0x3  }
0x37: {  	[smem:$0x3FBA] =	sst s10  }
0x38: {  	s10 =	sld [smem:$0x3FBB]  }
0x39: {  	_ = 	snop;
	(pc) =	sbr.ind lr, $3  }
0x3a: {  	_ = 	snop  }
0x3b: {  	_ = 	snop  }
0x3c: {  	p2 =	seq.s32 s10, $0x1;
	s10 =	sld [smem:$0x3FBA]  }
0x3d: {  	_ =	shalt  }
0x3e: {  	_ =	shalt  }
0x3f: {  	_ =	shalt  }
0x40: {  	_ =	shalt  }
0x41: {  	_ =	shalt  }
0x42: {  	_ =	shalt  }
0x43: {  	_ =	shalt  }
0x44: {  	_ =	shalt  }
0x45: {  	_ =	shalt  }
0x46: {  	_ =	shalt  }
0x47: {  	_ =	shalt  }
0x48: {  	_ =	shalt  }
0x49: {  	_ =	shalt  }
0x4a: {  	_ =	shalt  }
0x4b: {  	_ =	shalt  }
0x4c: {  	_ =	shalt  }
0x4d: {  	_ =	shalt  }
0x4e: {  	_ =	shalt  }
0x4f: {  	_ =	shalt  }
0x50: {  	_ =	shalt  }
0x51: {  	_ =	shalt  }
0x52: {  	_ =	shalt  }
0x53: {  	_ =	shalt  }
0x54: {  	_ =	shalt  }
0x55: {  	_ =	shalt  }
0x56: {  	_ =	shalt  }
0x57: {  	_ =	shalt  }
0x58: {  	_ =	shalt  }
0x59: {  	_ =	shalt  }
0x5a: {  	_ =	shalt  }
0x5b: {  	_ =	shalt  }
0x5c: {  	_ =	shalt  }
0x5d: {  	_ =	shalt  }
0x5e: {  	_ =	shalt  }
0x5f: {  	_ =	shalt  }
0x60: {  	_ =	shalt  }
0x61: {  	_ =	shalt  }
0x62: {  	_ =	shalt  }
0x63: {  	_ =	shalt  }
0x64: {  	_ =	shalt  }
0x65: {  	_ =	shalt  }
0x66: {  	_ =	shalt  }
0x67: {  	_ =	shalt  }
0x68: {  	_ =	shalt  }
0x69: {  	_ =	shalt  }
0x6a: {  	_ =	shalt  }
0x6b: {  	_ =	shalt  }
0x6c: {  	_ =	shalt  }
0x6d: {  	_ =	shalt  }
0x6e: {  	_ =	shalt  }
0x6f: {  	_ =	shalt  }
0x70: {  	_ =	shalt  }
0x71: {  	_ =	shalt  }
0x72: {  	_ =	shalt  }
0x73: {  	_ =	shalt  }
0x74: {  	_ =	shalt  }
0x75: {  	_ =	shalt  }
0x76: {  	_ =	shalt  }
0x77: {  	_ =	shalt  }
0x78: {  	_ =	shalt  }
0x79: {  	_ =	shalt  }
0x7a: {  	_ =	shalt  }
0x7b: {  	_ =	shalt  }
0x7c: {  	_ =	shalt  }
0x7d: {  	_ =	shalt  }
0x7e: {  	_ =	shalt  }
0x7f: {  	_ =	shalt  }
0x80: {  	_ =	shalt  }
0x81: {  	_ =	shalt  }
0x82: {  	_ =	shalt  }
0x83: {  	_ =	shalt  }
0x84: {  	_ =	shalt  }
0x85: {  	_ =	shalt  }
0x86: {  	_ =	shalt  }
0x87: {  	_ =	shalt  }
.Lfunc_end0:
.L_simem_size_0:
called_computation_lowered:
.L_overlay_start_0:
0x88: {  	s2 =	sld [smem:$0x3FD9]  }
0x89: {  	s3 =	sld [smem:$0x3FFE];
	_ =	sdelay $0x1  }
0x8a: {  	s1 =	srdreg.scid  }
0x8b: {  	s0 =	sand.u32 $0x1, s1  }
0x8c: {  	s14 =	sshll.u32 s0, $0xA;
	s2 =	sadd.s32 s3, s2  }
0x8d: {  	s2 =	sadd.s32 s2, s14  }
0x8e: {  	[smem:$0x3FC6] =	sst s2  }
0x8f: {  	_ = 	snop  }
0x90: {  	s2 =	sld [smem:$0x3FD0];
	_ =	sdelay $0x2  }
0x91: {  	s15 =	simm.s32 $0xA;
	s4 =	simm.s32 $0x10  }
0x92: {  	[smem:s4], [sflag:s15] =	dma.local [hbm:s2], $0x1  }
0x93: {  	_ =	swait.eq [sflag:s15], $0x1  }
0x94: {  	[sflag:s15] =	ssyncset.done $0x0  }
0x95: {  	[sflag:s15] =	ssyncadd.s32 $0xFFFFFFFF  }
0x96: {  	s16 =	sld [smem:$0x10];
	(tm) =	ssettm $0x1  }
0x97: {  	s17 =	sld [smem:$0x3FFB];
	_ =	sdelay $0x3  }
0x98: {  	_ =	strace s17  }
0x99: {  	s3 =	sld [smem:$0x3FFC];
	_ =	sdelay $0x3  }
0x9a: {  	_ =	strace s3  }
0x9b: {  	s3 =	sld [smem:$0x3FFD];
	_ =	sdelay $0x3  }
0x9c: {  	_ =	strace s3  }
0x9d: {  	_ =	strace $0x8FFFFFFF  }
0x9e: {  	s18 =	sld [smem:$0x3FDB];
	_ =	sdelay $0x1  }
0x9f: {  	s19 =	simm.s32 $_scs_section_size  }
0xa0: {  	s5 =	simm.s32 $_size__tile_overlayer_lowered;
	s6 =	simm.s32 $_tile_overlayer_lowered  }
0xa1: {  	s22 =	simm.s32 $0x1BFF;
	s21 =	sshll.u32 s6, $0x1;
	s3 =	sadd.s32 s19, s18  }
0xa2: {  	s7 =	simm.s32 $0x0;
	s20 =	sshll.u32 s5, $0x1;
	s5 =	sadd.s32 s21, s3  }
0xa3: {  	[timem:s7], [sflag:s22] =	dma.local [hbm:s5], s20  }
0xa4: {  	_ =	swait.ge [sflag:s22], s20  }
0xa5: {  	s4 =	ssub.s32 $0x0, s20;
	[sflag:s22] =	ssyncset.done $0x0  }
0xa6: {  	[sflag:s22] =	ssyncadd.s32 s4;
	_ =	sdelay $0x1  }
0xa7: {  	s23 =	simm.s32 $0x1B8B  }
0xa8: {  	_ =	swait.ge [sflag:s23], $0x1  }
0xa9: {  	[sflag:s23] =	ssyncset.done $0x0  }
0xaa: {  	s25 =	simm.s32 $0x1B8E;
	s24 =	sld [smem:$0x3FFE];
	[sflag:s23] =	ssyncadd.s32 $0xFFFFFFFF  }
0xab: {  	s26 =	simm.s32 $execute0_lowered;
	[smem:$0x3FD2] =	sst s25  }
0xac: {  	s5 =	sshll.u32 s26, $0x1;
	_ =	strace $0x80000046;
	[dreg:$0x1] =	wrdreg $0xFFFFFFFF  }
0xad: {  	s28 =	simm.s32 $_size_execute0_lowered;
	s3 =	sadd.s32 s3, s5;
	[dreg:$0x0] =	wrdreg $0x0  }
0xae: {  	s5 =	sshll.u32 s28, $0x1;
	[dreg:$0x2] =	wrdreg s3  }
0xaf: {  	[dreg:$0x3] =	wrdreg s5  }
0xb0: {  	[dreg:$0x4] =	wrdreg $0xC0  }
0xb1: {  	_ =	task [dreg:s7], $0x5FFFF  }
0xb2: {  	[dreg:$0x1] =	wrdreg $0xFFFFFFFF  }
0xb3: {  	[dreg:$0x0] =	wrdreg $0x60  }
0xb4: {  	[dreg:$0x2] =	wrdreg s24  }
0xb5: {  	[dreg:$0x3] =	wrdreg s16  }
0xb6: {  	[dreg:$0x4] =	wrdreg $0x9  }
0xb7: {  	_ =	task.clear_ibuf [dreg:s7], $0x5FFFF;
	_ =	strace $0x90000046  }
0xb8: {  	s29 =	simm.s32 $0x9;
	_ =	strace $0x80000048  }
0xb9: {  	_ =	swait.ge [sflag:s29], $0x1  }
0xba: {  	[sflag:s29] =	ssyncadd.s32 $0xFFFFFFFF  }
0xbb: {  	_ =	strace $0x90000048  }
0xbc: {  	_ =	sfence  }
0xbd: {  	s30 =	sld [smem:$0x0];
	_ =	sdelay $0x2  }
0xbe: {  	s31 =	sshll.u32 s1, $0xD;
	s1 =	sshrl.u32 s1, $0x2  }
0xbf: {  	s3 =	sand.u32 $0x4000, s31;
	s1 =	sadd.s32 s1, s30  }
0xc0: {  	s0 =	sor.u32 s3, s0;
	s1 =	sshll.u32 s1, $0x11  }
0xc1: {  	s0 =	sor.u32 s1, s0  }
0xc2: {  	s0 =	sadd.s32 $0x8F2B, s0  }
0xc3: {  	[sflag:s0] =	ssyncadd.remote.s32 $0x1  }
0xc4: {  	_ =	sfence.sel $0xFFFF  }
0xc5: {  	[dreg:$0x0] =	wrdreg $0xFFFFFFFF;
	(pc) =	sbr.abs _section_cstart, $3  }
0xc6: {  	[dreg:$0x1] =	wrdreg $0xFFFFFFFF  }
0xc7: {  	_ =	task.clear_ibuf [dreg:s7], $0x2FFFF;
	_ =	strace $0x9FFFFFFF  }
0xc8: {  	(tm) =	ssettm $0x7FFFFFFF  }
0xc9: {  	_ =	shalt  }
tec
execute0_lowered:
.L_overlay_start_1:
0x0: {  	(tag) =	ssettag $0x1  }
0x1: {  	s2 =	rddreg [dreg:$0x0]  }
0x2: {  	s4 =	rddreg [dreg:$0x1]  }
0x3: {  	s0 =	rddreg [dreg:$0x2]  }
0x4: {  	s1 =	simm.s32 $0x0;
	s3 =	srdreg.scid;
	s11 =	simm.s32 $0x80  }
0x5: {  	s12 =	simm.s32 $0x200;
	s13 =	simm.s32 $0x4200;
	s14 =	simm.s32 $0x1  }
0x6: {  	s15 =	simm.s32 $0x8200;
	s16 =	simm.s32 $0x100;
	s17 =	simm.s32 $0x2  }
0x7: {  	s18 =	simm.s32 $0xA200;
	s19 =	simm.s32 $0x180;
	s20 =	simm.s32 $0x3  }
0x8: {  	s21 =	simm.s32 $0x4;
	s22 =	simm.s32 $0x0;
	[smem:$0x7FF] =	sst s1  }
0x9: {  	s5 =	sand.u32 $0x1, s3;
	s3 =	sadd.s32 $0x800, s2;
	_ =	strace $0x80000047  }
0xa: {  	s6 =	sshll.u32 s5, $0x6;
	s7 =	ssub.s32 $0x2, s5;
	s5 =	sshll.u32 s5, $0xC  }
0xb: {  	s6 =	sadd.s32 s6, s2;
	s2 =	stileid.u32;
	s9 =	sshrl.u32 s7, $0x1  }
0xc: {  	s8 =	sshll.u32 s2, $0xD;
	s10 =	sshll.u32 s2, $0x7;
	s9 =	ssub.s32 s7, s9  }
0xd: {  	s5 =	sor.u32 s5, s8;
	s6 =	sadd.s32 s10, s6;
	s9 =	smax.u32 s9, $0x1  }
0xe: {  	s10 =	simm.s32 $0x5;
	s4 =	sadd.s32 s4, s5;
	s5 =	sadd.s32 $0x4800, s6  }
0xf: {  	s6 =	sadd.s32 $0x400, s4;
	s7 =	sadd.s32 $0x800, s4;
	s8 =	sadd.s32 $0xC00, s4  }
.LBB2_1:
0x10: {  	[tilespmem:s1], [sflag:$0x5] =	stream.linear.gather [hbm4b:s5+s1], $0x200, $0x38;
	[tilespmem:$0xC200] =	vst v63  }
0x11: {  	_ =	swait.ge [sflag:s10], $0x200  }
0x12: {  	[sflag:s10] =	ssyncset.done $0x0  }
0x13: {  	[sflag:s10] =	ssyncadd.s32 $0xFFFFFE00  }
0x14: {  	[tilespmem:s12], [sflag:$0x1] =	stream.indirect.gather [hbm4b:s3+s11], $0x80, s1, s11, $0xb8;
	[tilespmem:$0xC200] =	vst v63  }
0x15: {  	_ = 	snop  }
0x16: {  	[tilespmem:s13], [sflag:$0x2] =	stream.indirect.gather [hbm4b:s3+s11], $0x80, s11, s11, $0xb8;
	[tilespmem:$0xC200] =	vst v63  }
0x17: {  	_ =	swait.ge [sflag:s14], $0x4000  }
0x18: {  	[sflag:s14] =	ssyncset.done $0x0  }
0x19: {  	s24 =	simm.s32 $0x0;
	[sflag:s14] =	ssyncadd.s32 $0xFFFFC000  }
0x1a: {  	v0 =	vld [tilespmem:s24+$0x200];
	_ =	sdelay $0x3  }
0x1b: {  	s23 =	simm.s32 $0x8240  }
0x1c: {  	[tilespmem:s23+$0xFFFFFFC0] =	vst v0  }
0x1d: {  	v0 =	vld [tilespmem:s24+$0x210];
	_ =	sdelay $0x4  }
0x1e: {  	[tilespmem:s23+$0xFFFFFFD0] =	vst v0  }
0x1f: {  	v0 =	vld [tilespmem:s24+$0x220];
	_ =	sdelay $0x4  }
0x20: {  	[tilespmem:s23+$0xFFFFFFE0] =	vst v0  }
0x21: {  	v0 =	vld [tilespmem:s24+$0x230];
	_ =	sdelay $0x4  }
0x22: {  	[tilespmem:s23+$0xFFFFFFF0] =	vst v0  }
0x23: {  	v0 =	vld [tilespmem:s24+$0x280];
	_ =	sdelay $0x4  }
0x24: {  	[tilespmem:s23+$0x0] =	vst v0  }
0x25: {  	v0 =	vld [tilespmem:s24+$0x290];
	_ =	sdelay $0x4  }
0x26: {  	[tilespmem:s23+$0x10] =	vst v0  }
0x27: {  	v0 =	vld [tilespmem:s24+$0x2A0];
	_ =	sdelay $0x4  }
0x28: {  	[tilespmem:s23+$0x20] =	vst v0  }
0x29: {  	v0 =	vld [tilespmem:s24+$0x2B0];
	_ =	sdelay $0x4  }
0x2a: {  	s25 =	simm.s32 $0x800;
	s24 =	simm.s32 $0x100;
	[tilespmem:s23+$0x30] =	vst v0  }
.LBB2_2:
0x2b: {  	p0 =	sne.s32 s25, $0xFC00;
	v0 =	vld [tilespmem:s24+$0x200];
	_ =	sdelay $0x3  }
0x2c: {  	s23 =	sadd.s32 $0x80, s23  }
0x2d: {  	[tilespmem:s23+$0xFFFFFFC0] =	vst v0  }
0x2e: {  	v0 =	vld [tilespmem:s24+$0x210];
	_ =	sdelay $0x4  }
0x2f: {  	[tilespmem:s23+$0xFFFFFFD0] =	vst v0  }
0x30: {  	v0 =	vld [tilespmem:s24+$0x220];
	_ =	sdelay $0x4  }
0x31: {  	[tilespmem:s23+$0xFFFFFFE0] =	vst v0  }
0x32: {  	v0 =	vld [tilespmem:s24+$0x230];
	_ =	sdelay $0x4  }
0x33: {  	[tilespmem:s23+$0xFFFFFFF0] =	vst v0  }
0x34: {  	v0 =	vld [tilespmem:s24+$0x280];
	_ =	sdelay $0x4  }
0x35: {  	[tilespmem:s23+$0x0] =	vst v0  }
0x36: {  	v0 =	vld [tilespmem:s24+$0x290];
	_ =	sdelay $0x4  }
0x37: {  	[tilespmem:s23+$0x10] =	vst v0  }
0x38: {  	v0 =	vld [tilespmem:s24+$0x2A0];
	_ =	sdelay $0x4  }
0x39: {  	[tilespmem:s23+$0x20] =	vst v0  }
0x3a: {  	v0 =	vld [tilespmem:s24+$0x2B0]  }
.Ltmp0:
0x3b: {  	(pc) =	sbr.rel @p0 .LBB2_2-.Ltmp0, $2  }
0x3c: {  	_ =	sdelay $0x2  }
0x3d: {  	s24 =	sshra.s32 s25, $0x2;
	s25 =	sadd.s32 $0x400, s25;
	[tilespmem:s23+$0x30] =	vst v0  }
0x3e: {  	v0 =	vld [tilespmem:s24+$0x200];
	_ =	sdelay $0x3  }
0x3f: {  	s23 =	sadd.s32 $0x80, s23  }
0x40: {  	[tilespmem:s23+$0xFFFFFFC0] =	vst v0  }
0x41: {  	v0 =	vld [tilespmem:s24+$0x210];
	_ =	sdelay $0x4  }
0x42: {  	[tilespmem:s23+$0xFFFFFFD0] =	vst v0  }
0x43: {  	v0 =	vld [tilespmem:s24+$0x220];
	_ =	sdelay $0x4  }
0x44: {  	[tilespmem:s23+$0xFFFFFFE0] =	vst v0  }
0x45: {  	v0 =	vld [tilespmem:s24+$0x230];
	_ =	sdelay $0x4  }
0x46: {  	[tilespmem:s23+$0xFFFFFFF0] =	vst v0  }
0x47: {  	v0 =	vld [tilespmem:s24+$0x280];
	_ =	sdelay $0x4  }
0x48: {  	[tilespmem:s23+$0x0] =	vst v0  }
0x49: {  	v0 =	vld [tilespmem:s24+$0x290];
	_ =	sdelay $0x4  }
0x4a: {  	[tilespmem:s23+$0x10] =	vst v0  }
0x4b: {  	v0 =	vld [tilespmem:s24+$0x2A0];
	_ =	sdelay $0x4  }
0x4c: {  	[tilespmem:s23+$0x20] =	vst v0  }
0x4d: {  	v0 =	vld [tilespmem:s24+$0x2B0];
	_ =	sdelay $0x4  }
0x4e: {  	s30 =	simm.s32 $0x0;
	[tilespmem:s23+$0x30] =	vst v0  }
0x4f: {  	[hbm4b:s4+s30] =	stream.linear.scatter [tilespmem:s15], [sflag:$0x3], $0x2000, $0x38;
	[tilespmem:$0xC200] =	vst v63  }
0x50: {  	_ = 	snop  }
0x51: {  	[tilespmem:s12], [sflag:$0x1] =	stream.indirect.gather [hbm4b:s3+s11], $0x80, s16, s11, $0xb8;
	[tilespmem:$0xC200] =	vst v63  }
0x52: {  	_ =	swait.ge [sflag:s17], $0x4000  }
0x53: {  	[sflag:s17] =	ssyncset.done $0x0  }
0x54: {  	s31 =	simm.s32 $0x0;
	[sflag:s17] =	ssyncadd.s32 $0xFFFFC000  }
0x55: {  	v63 =	vld [tilespmem:s31+$0x4200];
	_ =	sdelay $0x3  }
0x56: {  	s23 =	simm.s32 $0xA240  }
0x57: {  	[tilespmem:s23+$0xFFFFFFC0] =	vst v63  }
0x58: {  	v0 =	vld [tilespmem:s31+$0x4210];
	_ =	sdelay $0x4  }
0x59: {  	[tilespmem:s23+$0xFFFFFFD0] =	vst v0  }
0x5a: {  	v0 =	vld [tilespmem:s31+$0x4220];
	_ =	sdelay $0x4  }
0x5b: {  	[tilespmem:s23+$0xFFFFFFE0] =	vst v0  }
0x5c: {  	v0 =	vld [tilespmem:s31+$0x4230];
	_ =	sdelay $0x4  }
0x5d: {  	[tilespmem:s23+$0xFFFFFFF0] =	vst v0  }
0x5e: {  	v0 =	vld [tilespmem:s31+$0x4280];
	_ =	sdelay $0x4  }
0x5f: {  	[tilespmem:s23+$0x0] =	vst v0  }
0x60: {  	v0 =	vld [tilespmem:s31+$0x4290];
	_ =	sdelay $0x4  }
0x61: {  	[tilespmem:s23+$0x10] =	vst v0  }
0x62: {  	v0 =	vld [tilespmem:s31+$0x42A0];
	_ =	sdelay $0x4  }
0x63: {  	[tilespmem:s23+$0x20] =	vst v0  }
0x64: {  	v0 =	vld [tilespmem:s31+$0x42B0];
	_ =	sdelay $0x4  }
0x65: {  	s25 =	simm.s32 $0x800;
	s24 =	simm.s32 $0x100;
	[tilespmem:s23+$0x30] =	vst v0  }
.LBB2_4:
0x66: {  	p0 =	sne.s32 s25, $0xFC00;
	v0 =	vld [tilespmem:s24+$0x4200];
	_ =	sdelay $0x3  }
0x67: {  	s23 =	sadd.s32 $0x80, s23  }
0x68: {  	[tilespmem:s23+$0xFFFFFFC0] =	vst v0  }
0x69: {  	v0 =	vld [tilespmem:s24+$0x4210];
	_ =	sdelay $0x4  }
0x6a: {  	[tilespmem:s23+$0xFFFFFFD0] =	vst v0  }
0x6b: {  	v0 =	vld [tilespmem:s24+$0x4220];
	_ =	sdelay $0x4  }
0x6c: {  	[tilespmem:s23+$0xFFFFFFE0] =	vst v0  }
0x6d: {  	v0 =	vld [tilespmem:s24+$0x4230];
	_ =	sdelay $0x4  }
0x6e: {  	[tilespmem:s23+$0xFFFFFFF0] =	vst v0  }
0x6f: {  	v0 =	vld [tilespmem:s24+$0x4280];
	_ =	sdelay $0x4  }
0x70: {  	[tilespmem:s23+$0x0] =	vst v0  }
0x71: {  	v0 =	vld [tilespmem:s24+$0x4290];
	_ =	sdelay $0x4  }
0x72: {  	[tilespmem:s23+$0x10] =	vst v0  }
0x73: {  	v0 =	vld [tilespmem:s24+$0x42A0];
	_ =	sdelay $0x4  }
0x74: {  	[tilespmem:s23+$0x20] =	vst v0  }
0x75: {  	v0 =	vld [tilespmem:s24+$0x42B0]  }
.Ltmp1:
0x76: {  	(pc) =	sbr.rel @p0 .LBB2_4-.Ltmp1, $2  }
0x77: {  	_ =	sdelay $0x2  }
0x78: {  	s24 =	sshra.s32 s25, $0x2;
	s25 =	sadd.s32 $0x400, s25;
	[tilespmem:s23+$0x30] =	vst v0  }
0x79: {  	v0 =	vld [tilespmem:s24+$0x4200];
	_ =	sdelay $0x3  }
0x7a: {  	s23 =	sadd.s32 $0x80, s23  }
0x7b: {  	[tilespmem:s23+$0xFFFFFFC0] =	vst v0  }
0x7c: {  	v0 =	vld [tilespmem:s24+$0x4210];
	_ =	sdelay $0x4  }
0x7d: {  	[tilespmem:s23+$0xFFFFFFD0] =	vst v0  }
0x7e: {  	v0 =	vld [tilespmem:s24+$0x4220];
	_ =	sdelay $0x4  }
0x7f: {  	[tilespmem:s23+$0xFFFFFFE0] =	vst v0  }
0x80: {  	v0 =	vld [tilespmem:s24+$0x4230];
	_ =	sdelay $0x4  }
0x81: {  	[tilespmem:s23+$0xFFFFFFF0] =	vst v0  }
0x82: {  	v0 =	vld [tilespmem:s24+$0x4280];
	_ =	sdelay $0x4  }
0x83: {  	[tilespmem:s23+$0x0] =	vst v0  }
0x84: {  	v0 =	vld [tilespmem:s24+$0x4290];
	_ =	sdelay $0x4  }
0x85: {  	[tilespmem:s23+$0x10] =	vst v0  }
0x86: {  	v0 =	vld [tilespmem:s24+$0x42A0];
	_ =	sdelay $0x4  }
0x87: {  	[tilespmem:s23+$0x20] =	vst v0  }
0x88: {  	v0 =	vld [tilespmem:s24+$0x42B0];
	_ =	sdelay $0x4  }
0x89: {  	s30 =	simm.s32 $0x0;
	[tilespmem:s23+$0x30] =	vst v0  }
0x8a: {  	[hbm4b:s6+s30] =	stream.linear.scatter [tilespmem:s18], [sflag:$0x4], $0x2000, $0x38;
	[tilespmem:$0xC200] =	vst v63  }
0x8b: {  	_ = 	snop  }
0x8c: {  	[tilespmem:s13], [sflag:$0x2] =	stream.indirect.gather [hbm4b:s3+s11], $0x80, s19, s11, $0xb8;
	[tilespmem:$0xC200] =	vst v63  }
0x8d: {  	_ =	swait.ge [sflag:s14], $0x4000  }
0x8e: {  	[sflag:s14] =	ssyncset.done $0x0  }
0x8f: {  	[sflag:s14] =	ssyncadd.s32 $0xFFFFC000  }
0x90: {  	_ =	swait.ge [sflag:s20], $0x2000  }
0x91: {  	[sflag:s20] =	ssyncset.done $0x0  }
0x92: {  	s31 =	simm.s32 $0x0;
	[sflag:s20] =	ssyncadd.s32 $0xFFFFE000  }
0x93: {  	v63 =	vld [tilespmem:s31+$0x200];
	_ =	sdelay $0x3  }
0x94: {  	s23 =	simm.s32 $0x8240  }
0x95: {  	[tilespmem:s23+$0xFFFFFFC0] =	vst v63  }
0x96: {  	v0 =	vld [tilespmem:s31+$0x210];
	_ =	sdelay $0x4  }
0x97: {  	[tilespmem:s23+$0xFFFFFFD0] =	vst v0  }
0x98: {  	v0 =	vld [tilespmem:s31+$0x220];
	_ =	sdelay $0x4  }
0x99: {  	[tilespmem:s23+$0xFFFFFFE0] =	vst v0  }
0x9a: {  	v0 =	vld [tilespmem:s31+$0x230];
	_ =	sdelay $0x4  }
0x9b: {  	[tilespmem:s23+$0xFFFFFFF0] =	vst v0  }
0x9c: {  	v0 =	vld [tilespmem:s31+$0x280];
	_ =	sdelay $0x4  }
0x9d: {  	[tilespmem:s23+$0x0] =	vst v0  }
0x9e: {  	v0 =	vld [tilespmem:s31+$0x290];
	_ =	sdelay $0x4  }
0x9f: {  	[tilespmem:s23+$0x10] =	vst v0  }
0xa0: {  	v0 =	vld [tilespmem:s31+$0x2A0];
	_ =	sdelay $0x4  }
0xa1: {  	[tilespmem:s23+$0x20] =	vst v0  }
0xa2: {  	v0 =	vld [tilespmem:s31+$0x2B0];
	_ =	sdelay $0x4  }
0xa3: {  	s25 =	simm.s32 $0x800;
	s24 =	simm.s32 $0x100;
	[tilespmem:s23+$0x30] =	vst v0  }
.LBB2_6:
0xa4: {  	p0 =	sne.s32 s25, $0xFC00;
	v0 =	vld [tilespmem:s24+$0x200];
	_ =	sdelay $0x3  }
0xa5: {  	s23 =	sadd.s32 $0x80, s23  }
0xa6: {  	[tilespmem:s23+$0xFFFFFFC0] =	vst v0  }
0xa7: {  	v0 =	vld [tilespmem:s24+$0x210];
	_ =	sdelay $0x4  }
0xa8: {  	[tilespmem:s23+$0xFFFFFFD0] =	vst v0  }
0xa9: {  	v0 =	vld [tilespmem:s24+$0x220];
	_ =	sdelay $0x4  }
0xaa: {  	[tilespmem:s23+$0xFFFFFFE0] =	vst v0  }
0xab: {  	v0 =	vld [tilespmem:s24+$0x230];
	_ =	sdelay $0x4  }
0xac: {  	[tilespmem:s23+$0xFFFFFFF0] =	vst v0  }
0xad: {  	v0 =	vld [tilespmem:s24+$0x280];
	_ =	sdelay $0x4  }
0xae: {  	[tilespmem:s23+$0x0] =	vst v0  }
0xaf: {  	v0 =	vld [tilespmem:s24+$0x290];
	_ =	sdelay $0x4  }
0xb0: {  	[tilespmem:s23+$0x10] =	vst v0  }
0xb1: {  	v0 =	vld [tilespmem:s24+$0x2A0];
	_ =	sdelay $0x4  }
0xb2: {  	[tilespmem:s23+$0x20] =	vst v0  }
0xb3: {  	v0 =	vld [tilespmem:s24+$0x2B0]  }
.Ltmp2:
0xb4: {  	(pc) =	sbr.rel @p0 .LBB2_6-.Ltmp2, $2  }
0xb5: {  	_ =	sdelay $0x2  }
0xb6: {  	s24 =	sshra.s32 s25, $0x2;
	s25 =	sadd.s32 $0x400, s25;
	[tilespmem:s23+$0x30] =	vst v0  }
0xb7: {  	v0 =	vld [tilespmem:s24+$0x200];
	_ =	sdelay $0x3  }
0xb8: {  	s23 =	sadd.s32 $0x80, s23  }
0xb9: {  	[tilespmem:s23+$0xFFFFFFC0] =	vst v0  }
0xba: {  	v0 =	vld [tilespmem:s24+$0x210];
	_ =	sdelay $0x4  }
0xbb: {  	[tilespmem:s23+$0xFFFFFFD0] =	vst v0  }
0xbc: {  	v0 =	vld [tilespmem:s24+$0x220];
	_ =	sdelay $0x4  }
0xbd: {  	[tilespmem:s23+$0xFFFFFFE0] =	vst v0  }
0xbe: {  	v0 =	vld [tilespmem:s24+$0x230];
	_ =	sdelay $0x4  }
0xbf: {  	[tilespmem:s23+$0xFFFFFFF0] =	vst v0  }
0xc0: {  	v0 =	vld [tilespmem:s24+$0x280];
	_ =	sdelay $0x4  }
0xc1: {  	[tilespmem:s23+$0x0] =	vst v0  }
0xc2: {  	v0 =	vld [tilespmem:s24+$0x290];
	_ =	sdelay $0x4  }
0xc3: {  	[tilespmem:s23+$0x10] =	vst v0  }
0xc4: {  	v0 =	vld [tilespmem:s24+$0x2A0];
	_ =	sdelay $0x4  }
0xc5: {  	[tilespmem:s23+$0x20] =	vst v0  }
0xc6: {  	v0 =	vld [tilespmem:s24+$0x2B0];
	_ =	sdelay $0x4  }
0xc7: {  	s30 =	simm.s32 $0x0;
	[tilespmem:s23+$0x30] =	vst v0  }
0xc8: {  	[hbm4b:s7+s30] =	stream.linear.scatter [tilespmem:s15], [sflag:$0x3], $0x2000, $0x38;
	[tilespmem:$0xC200] =	vst v63  }
0xc9: {  	_ =	swait.ge [sflag:s17], $0x4000  }
0xca: {  	[sflag:s17] =	ssyncset.done $0x0  }
0xcb: {  	[sflag:s17] =	ssyncadd.s32 $0xFFFFC000  }
0xcc: {  	_ =	swait.ge [sflag:s21], $0x2000  }
0xcd: {  	[sflag:s21] =	ssyncset.done $0x0  }
0xce: {  	s31 =	simm.s32 $0x0;
	[sflag:s21] =	ssyncadd.s32 $0xFFFFE000  }
0xcf: {  	v63 =	vld [tilespmem:s31+$0x4200];
	_ =	sdelay $0x3  }
0xd0: {  	s23 =	simm.s32 $0xA240  }
0xd1: {  	[tilespmem:s23+$0xFFFFFFC0] =	vst v63  }
0xd2: {  	v0 =	vld [tilespmem:s31+$0x4210];
	_ =	sdelay $0x4  }
0xd3: {  	[tilespmem:s23+$0xFFFFFFD0] =	vst v0  }
0xd4: {  	v0 =	vld [tilespmem:s31+$0x4220];
	_ =	sdelay $0x4  }
0xd5: {  	[tilespmem:s23+$0xFFFFFFE0] =	vst v0  }
0xd6: {  	v0 =	vld [tilespmem:s31+$0x4230];
	_ =	sdelay $0x4  }
0xd7: {  	[tilespmem:s23+$0xFFFFFFF0] =	vst v0  }
0xd8: {  	v0 =	vld [tilespmem:s31+$0x4280];
	_ =	sdelay $0x4  }
0xd9: {  	[tilespmem:s23+$0x0] =	vst v0  }
0xda: {  	v0 =	vld [tilespmem:s31+$0x4290];
	_ =	sdelay $0x4  }
0xdb: {  	[tilespmem:s23+$0x10] =	vst v0  }
0xdc: {  	v0 =	vld [tilespmem:s31+$0x42A0];
	_ =	sdelay $0x4  }
0xdd: {  	[tilespmem:s23+$0x20] =	vst v0  }
0xde: {  	v0 =	vld [tilespmem:s31+$0x42B0];
	_ =	sdelay $0x4  }
0xdf: {  	s25 =	simm.s32 $0x800;
	s24 =	simm.s32 $0x100;
	[tilespmem:s23+$0x30] =	vst v0  }
.LBB2_8:
0xe0: {  	p0 =	sne.s32 s25, $0xFC00;
	v0 =	vld [tilespmem:s24+$0x4200];
	_ =	sdelay $0x3  }
0xe1: {  	s23 =	sadd.s32 $0x80, s23  }
0xe2: {  	[tilespmem:s23+$0xFFFFFFC0] =	vst v0  }
0xe3: {  	v0 =	vld [tilespmem:s24+$0x4210];
	_ =	sdelay $0x4  }
0xe4: {  	[tilespmem:s23+$0xFFFFFFD0] =	vst v0  }
0xe5: {  	v0 =	vld [tilespmem:s24+$0x4220];
	_ =	sdelay $0x4  }
0xe6: {  	[tilespmem:s23+$0xFFFFFFE0] =	vst v0  }
0xe7: {  	v0 =	vld [tilespmem:s24+$0x4230];
	_ =	sdelay $0x4  }
0xe8: {  	[tilespmem:s23+$0xFFFFFFF0] =	vst v0  }
0xe9: {  	v0 =	vld [tilespmem:s24+$0x4280];
	_ =	sdelay $0x4  }
0xea: {  	[tilespmem:s23+$0x0] =	vst v0  }
0xeb: {  	v0 =	vld [tilespmem:s24+$0x4290];
	_ =	sdelay $0x4  }
0xec: {  	[tilespmem:s23+$0x10] =	vst v0  }
0xed: {  	v0 =	vld [tilespmem:s24+$0x42A0];
	_ =	sdelay $0x4  }
0xee: {  	[tilespmem:s23+$0x20] =	vst v0  }
0xef: {  	v0 =	vld [tilespmem:s24+$0x42B0]  }
.Ltmp3:
0xf0: {  	(pc) =	sbr.rel @p0 .LBB2_8-.Ltmp3, $2  }
0xf1: {  	_ =	sdelay $0x2  }
0xf2: {  	s24 =	sshra.s32 s25, $0x2;
	s25 =	sadd.s32 $0x400, s25;
	[tilespmem:s23+$0x30] =	vst v0  }
0xf3: {  	v0 =	vld [tilespmem:s24+$0x4200];
	_ =	sdelay $0x3  }
0xf4: {  	s23 =	sadd.s32 $0x80, s23  }
0xf5: {  	[tilespmem:s23+$0xFFFFFFC0] =	vst v0  }
0xf6: {  	v0 =	vld [tilespmem:s24+$0x4210];
	_ =	sdelay $0x4  }
0xf7: {  	[tilespmem:s23+$0xFFFFFFD0] =	vst v0  }
0xf8: {  	v0 =	vld [tilespmem:s24+$0x4220];
	_ =	sdelay $0x4  }
0xf9: {  	[tilespmem:s23+$0xFFFFFFE0] =	vst v0  }
0xfa: {  	v0 =	vld [tilespmem:s24+$0x4230];
	_ =	sdelay $0x4  }
0xfb: {  	[tilespmem:s23+$0xFFFFFFF0] =	vst v0  }
0xfc: {  	v0 =	vld [tilespmem:s24+$0x4280];
	_ =	sdelay $0x4  }
0xfd: {  	[tilespmem:s23+$0x0] =	vst v0  }
0xfe: {  	v0 =	vld [tilespmem:s24+$0x4290];
	_ =	sdelay $0x4  }
0xff: {  	[tilespmem:s23+$0x10] =	vst v0  }
0x100: {  	v0 =	vld [tilespmem:s24+$0x42A0];
	_ =	sdelay $0x4  }
0x101: {  	[tilespmem:s23+$0x20] =	vst v0  }
0x102: {  	v0 =	vld [tilespmem:s24+$0x42B0];
	_ =	sdelay $0x4  }
0x103: {  	s22 =	sadd.s32 $0x1, s22;
	[tilespmem:s23+$0x30] =	vst v0  }
0x104: {  	[hbm4b:s8+s1] =	stream.linear.scatter [tilespmem:s18], [sflag:$0x4], $0x2000, $0x38;
	[tilespmem:$0xC200] =	vst v63  }
0x105: {  	p0 =	sne.s32 s22, s9;
	_ =	swait.ge [sflag:s20], $0x2000  }
.Ltmp4:
0x106: {  	[sflag:s20] =	ssyncset.done $0x0;
	(pc) =	sbr.rel @p0 .LBB2_1-.Ltmp4, $4  }
0x107: {  	[sflag:s20] =	ssyncadd.s32 $0xFFFFE000  }
0x108: {  	_ =	swait.ge [sflag:s21], $0x2000  }
0x109: {  	[sflag:s21] =	ssyncset.done $0x0  }
0x10a: {  	[sflag:s21] =	ssyncadd.s32 $0xFFFFE000  }
0x10b: {  	_ =	sfence.sel $0x180000  }
0x10c: {  	[bflag:$0x0] =	sbarrier.arrive $0xFFFF  }
0x10d: {  	p0 =	sne.s32 s2, $0x0;
	_ =	strace $0x90000047  }
0x10e: {  	s0 =	sadd.s32 @!p0 $0x100000, s0;
	[bflag:$0x2] =	sbarrier.arrive $0xFFFF  }
0x10f: {  	[sflag:s0] =	ssyncadd.tile.s32 @!p0 $0x1;
	_ =	shalt  }
.Lfunc_end2:
_tile_overlayer_lowered:
.L_overlay_start_2:
0x110: {  	(tag) =	ssettag $0x2  }
0x111: {  	s0 =	rddreg [dreg:$0x0];
	s2 =	stileid.u32  }
0x112: {  	s1 =	rddreg [dreg:$0x1];
	p0 =	sne.s32 s2, $0x0  }
0x113: {  	s3 =	rddreg [dreg:$0x2];
	[bflag:$0x3] =	sbarrier.arrive $0xFFFF;
	s2 =	simm.s32 @!p0 $0x1C05  }
0x114: {  	[timem:s3], [sflag:s2] =	dma.local @!p0 [hbm:s0], s1  }
0x115: {  	s0 =	simm.s32 @!p0 $0x5  }
0x116: {  	_ =	swait.ge @!p0 [sflag:s0], s1  }
0x117: {  	s1 =	ssub.s32 @!p0 $0x0, s1;
	[sflag:s0] =	ssyncset.done @!p0 $0x0  }
0x118: {  	[sflag:s0] =	ssyncadd.s32 @!p0 s1  }
0x119: {  	[bflag:$0x3] =	sbarrier.arrive $0xFFFF  }
0x11a: {  	_ =	shalt  }

</sc_bundles>
